<compile_context>
chip_gen: v7x
topology: tpu7x:2x2x1
jax: 0.10.2.dev20260603
libtpu: 0.0.44.dev20260713+nightly
codegen_flags: <defaults>
</compile_context>

<pallas_src>
import functools

import jax
import jax.numpy as jnp
from jax import lax
from jax.experimental import pallas as pl
from jax.experimental.pallas import tpu as pltpu
from jax.experimental.pallas import tpu_sc as plsc

_B = 4
_N = 2048
_D = 64
_K = 32
_M = 512
_R2 = 0.2 * 0.2
_H1 = 128
_H2 = 256
_HG = 256
_E = _B * _M * _K
_NG = _B * _N
_MG = _B * _M
_INF = float("inf")

_NW = 32
_EPW = _E // _NW
_ECH = 512
_GPW = _MG // _NW



def _fps_body(p3_ref, idx_ref, ps3_ref, dists_ref):
    p3 = p3_ref[:, :, :]
    dists_ref[:, :] = jnp.full((_B, _N), _INF, jnp.float32)
    coln = lax.broadcasted_iota(jnp.int32, (_B, _N), 1)
    colm = lax.broadcasted_iota(jnp.int32, (_B, _M), 1)
    rowoff = lax.broadcasted_iota(jnp.int32, (_B, 1), 0) * _N

    def step(i, carry):
        last, ai, aps = carry
        oh = (coln == last).astype(jnp.float32)
        c3 = jnp.sum(p3 * oh[None, :, :], axis=2, keepdims=True)
        d = ((p3[0] - c3[0]) ** 2 + (p3[2] - c3[2]) ** 2
             + (p3[1] - c3[1]) ** 2)
        nd = jnp.minimum(dists_ref[:, :], d)
        dists_ref[:, :] = nd
        mx = jnp.max(nd, axis=1, keepdims=True)
        nxt = jnp.min(jnp.where(nd == mx, coln, _N), axis=1, keepdims=True)
        at = colm == i
        return (nxt, jnp.where(at, last + rowoff, ai),
                jnp.where(at[None, :, :], c3, aps))

    _, ai, aps = lax.fori_loop(
        0, _M, step,
        (jnp.zeros((_B, 1), jnp.int32), jnp.zeros((_B, _M), jnp.int32),
         jnp.zeros((3, _B, _M), jnp.float32)))
    idx_ref[:, :] = ai
    ps3_ref[:, :, :] = aps


_fps = pl.pallas_call(
    _fps_body,
    out_shape=[
        jax.ShapeDtypeStruct((_B, _M), jnp.int32),
        jax.ShapeDtypeStruct((3, _B, _M), jnp.float32),
    ],
    scratch_shapes=[pltpu.VMEM((_B, _N), jnp.float32)],
)



def _sel_body(px_ref, py_ref, pz_ref, psx_ref, psy_ref, psz_ref,
              nidx_ref, valid_ref, d2_ref):
    b = pl.program_id(0)
    px = px_ref[0, 0, :][None, :]
    py = py_ref[0, 0, :][None, :]
    pz = pz_ref[0, 0, :][None, :]
    cx = psx_ref[0]
    cy = psy_ref[0]
    cz = psz_ref[0]
    d2 = (cx - px) ** 2 + (cz - pz) ** 2 + (cy - py) ** 2
    d2_ref[:, :] = jnp.where(d2 <= _R2, d2, _INF)
    coln = lax.broadcasted_iota(jnp.int32, (_M, _N), 1)
    colk = lax.broadcasted_iota(jnp.int32, (_M, _K), 1)

    def step(k, carry):
        an, av = carry
        cur = d2_ref[:, :]
        mn = jnp.min(cur, axis=1, keepdims=True)
        sel = jnp.min(jnp.where(cur == mn, coln, _N), axis=1, keepdims=True)
        d2_ref[:, :] = jnp.where(coln == sel, _INF, cur)
        at = colk == k
        return (jnp.where(at, sel + b * _N, an),
                jnp.where(at, (mn <= _R2).astype(jnp.int32), av))

    zi = jnp.zeros((_M, _K), jnp.int32)
    an, av = lax.fori_loop(0, _K, step, (zi, zi))
    nidx_ref[0, :, :] = an
    valid_ref[0, :, :] = av


_sel = pl.pallas_call(
    _sel_body,
    grid=(_B,),
    in_specs=[
        pl.BlockSpec((1, 1, _N), lambda b: (b, 0, 0)),
        pl.BlockSpec((1, 1, _N), lambda b: (b, 0, 0)),
        pl.BlockSpec((1, 1, _N), lambda b: (b, 0, 0)),
        pl.BlockSpec((1, _M, 1), lambda b: (b, 0, 0)),
        pl.BlockSpec((1, _M, 1), lambda b: (b, 0, 0)),
        pl.BlockSpec((1, _M, 1), lambda b: (b, 0, 0)),
    ],
    out_specs=[
        pl.BlockSpec((1, _M, _K), lambda b: (b, 0, 0)),
        pl.BlockSpec((1, _M, _K), lambda b: (b, 0, 0)),
    ],
    out_shape=[
        jax.ShapeDtypeStruct((_B, _M, _K), jnp.int32),
        jax.ShapeDtypeStruct((_B, _M, _K), jnp.int32),
    ],
    scratch_shapes=[pltpu.VMEM((_M, _N), jnp.float32)],
)



def _sc_gather_body(x_hbm, posp_hbm, psp_hbm, eidx_hbm, cidx_hbm, ig_hbm,
                    xg_hbm, relp_hbm, po_hbm,
                    eidx_v, cidx_v, xbuf0, xbuf1, pjbuf, psbuf, relbuf,
                    igv, pobuf, semx0, semx1, semp, semo):
    wid = lax.axis_index("s") * 2 + lax.axis_index("c")
    base = wid * _EPW
    pltpu.sync_copy(eidx_hbm.at[pl.ds(base, _EPW)], eidx_v)
    pltpu.sync_copy(cidx_hbm.at[pl.ds(base, _EPW)], cidx_v)

    gbase = wid * _GPW
    pltpu.sync_copy(ig_hbm.at[pl.ds(gbase, _GPW)], igv)
    ocp = pltpu.async_copy(posp_hbm.at[igv], pobuf, semo)

    nch = _EPW // _ECH
    xbufs = (xbuf0, xbuf1)
    xsems = (semx0, semx1)
    cps = [None, None]
    cps[0] = pltpu.async_copy(x_hbm.at[eidx_v.at[pl.ds(0, _ECH)]],
                              xbufs[0], xsems[0])
    for ch in range(nch):
        esl = eidx_v.at[pl.ds(ch * _ECH, _ECH)]
        csl = cidx_v.at[pl.ds(ch * _ECH, _ECH)]
        if ch + 1 < nch:
            nsl = eidx_v.at[pl.ds((ch + 1) * _ECH, _ECH)]
            cps[(ch + 1) % 2] = pltpu.async_copy(
                x_hbm.at[nsl], xbufs[(ch + 1) % 2], xsems[(ch + 1) % 2])
        cpj = pltpu.async_copy(posp_hbm.at[esl], pjbuf, semp)
        cps_ = pltpu.async_copy(psp_hbm.at[csl], psbuf, semp)
        cpj.wait()
        cps_.wait()

        def sub(i, _):
            relbuf[i, :] = pjbuf[i, :] - psbuf[i, :]
            return 0

        lax.fori_loop(0, _ECH, sub, 0)
        pltpu.sync_copy(relbuf, relp_hbm.at[pl.ds(base + ch * _ECH, _ECH)])
        cps[ch % 2].wait()
        pltpu.sync_copy(xbufs[ch % 2], xg_hbm.at[pl.ds(base + ch * _ECH, _ECH)])

    ocp.wait()
    pltpu.sync_copy(pobuf, po_hbm.at[pl.ds(gbase, _GPW)])


@functools.lru_cache(maxsize=1)
def _make_sc_gather():
    return functools.partial(
        pl.kernel,
        mesh=plsc.VectorSubcoreMesh(core_axis_name="c", subcore_axis_name="s"),
        compiler_params=pltpu.CompilerParams(use_tc_tiling_on_sc=False),
        out_type=[
            jax.ShapeDtypeStruct((_E, _D), jnp.float32),
            jax.ShapeDtypeStruct((_E, 16), jnp.float32),
            jax.ShapeDtypeStruct((_MG, 16), jnp.float32),
        ],
        scratch_types=[
            pltpu.VMEM((_EPW,), jnp.int32),
            pltpu.VMEM((_EPW,), jnp.int32),
            pltpu.VMEM((_ECH, _D), jnp.float32),
            pltpu.VMEM((_ECH, _D), jnp.float32),
            pltpu.VMEM((_ECH, 16), jnp.float32),
            pltpu.VMEM((_ECH, 16), jnp.float32),
            pltpu.VMEM((_ECH, 16), jnp.float32),
            pltpu.VMEM((_GPW,), jnp.int32),
            pltpu.VMEM((_GPW, 16), jnp.float32),
            pltpu.SemaphoreType.DMA,
            pltpu.SemaphoreType.DMA,
            pltpu.SemaphoreType.DMA,
            pltpu.SemaphoreType.DMA,
        ],
    )(_sc_gather_body)



_MB = 256
_EB = _MB * _K


def _mlp_body(xg_ref, rel_ref, val_ref, w1x_ref, w1p_ref, b1_ref,
              w2_ref, b2_ref, wg_ref, bg_ref, out_ref):
    dot = functools.partial(lax.dot_general,
                            dimension_numbers=(((1,), (0,)), ((), ())),
                            preferred_element_type=jnp.float32,
                            precision=lax.Precision.DEFAULT)
    t = dot(xg_ref[:, :], w1x_ref[:, :]) + dot(rel_ref[:, :], w1p_ref[:, :])
    h1 = jnp.maximum(t + b1_ref[0, :][None, :], 0.0)
    h2 = jnp.maximum(dot(h1, w2_ref[:, :]) + b2_ref[0, :][None, :], 0.0)
    h2 = jnp.where(val_ref[:, :] > 0.0, h2, -1e10)
    agg = jnp.max(h2.reshape(_MB, _K, _H2), axis=1)
    out_ref[:, :] = jnp.maximum(dot(agg, wg_ref[:, :]) + bg_ref[0, :][None, :],
                                0.0)


_mlp = pl.pallas_call(
    _mlp_body,
    grid=(_E // _EB,),
    in_specs=[
        pl.BlockSpec((_EB, _D), lambda i: (i, 0)),
        pl.BlockSpec((_EB, 16), lambda i: (i, 0)),
        pl.BlockSpec((_EB, 1), lambda i: (i, 0)),
        pl.BlockSpec((_D, _H1), lambda i: (0, 0)),
        pl.BlockSpec((16, _H1), lambda i: (0, 0)),
        pl.BlockSpec((1, _H1), lambda i: (0, 0)),
        pl.BlockSpec((_H1, _H2), lambda i: (0, 0)),
        pl.BlockSpec((1, _H2), lambda i: (0, 0)),
        pl.BlockSpec((_H2, _HG), lambda i: (0, 0)),
        pl.BlockSpec((1, _HG), lambda i: (0, 0)),
    ],
    out_specs=pl.BlockSpec((_MB, _HG), lambda i: (i, 0)),
    out_shape=jax.ShapeDtypeStruct((_MG, _HG), jnp.float32),
)


def kernel(x, pos, batch, point2curveidx, W1, b1, W2, b2, Wg, bg):
    p3 = pos.T.reshape(3, _B, _N)

    idxg, ps3 = _fps(p3)

    nidx, valid = _sel(p3[0].reshape(_B, 1, _N),
                       p3[1].reshape(_B, 1, _N),
                       p3[2].reshape(_B, 1, _N),
                       ps3[0].reshape(_B, _M, 1),
                       ps3[1].reshape(_B, _M, 1),
                       ps3[2].reshape(_B, _M, 1))

    batf = batch.astype(jnp.float32).reshape(_NG, 1)
    curf = point2curveidx.astype(jnp.float32).reshape(_NG, 1)
    posp = jnp.concatenate(
        [pos, batf, curf, jnp.zeros((_NG, 11), jnp.float32)], axis=1)
    psp = jnp.pad(ps3.reshape(3, _MG).T, ((0, 0), (0, 13)))
    eidx = nidx.reshape(_E)
    cidx = jnp.repeat(jnp.arange(_MG, dtype=jnp.int32), _K)
    igf = idxg.reshape(_MG)

    xg, relp, pop = _make_sc_gather()(x, posp, psp, eidx, cidx, igf)

    w1x = W1[:_D]
    w1p = jnp.zeros((16, _H1), W1.dtype).at[:3].set(W1[_D:])
    validf = valid.reshape(_E, 1).astype(jnp.float32)

    x_out = _mlp(xg, relp, validf, w1x, w1p, b1.reshape(1, _H1),
                 W2, b2.reshape(1, _H2), Wg, bg.reshape(1, _HG))

    pos_out = pop[:, :3]
    return (x_out, pos_out, pop[:, 3].astype(batch.dtype),
            pop[:, 4].astype(point2curveidx.dtype), igf)

# --- scband reference (transcript-rebuilt; emitter-appended) ---
"""Pipeline reference for scband-curve-samodule-26834955666011 (READ-ONLY COPY).

The authoritative reference and input builder live on the scoring server;
editing this copy changes nothing except your own understanding.
"""

import jax, jax.numpy as jnp
import numpy as np

B = 4
N_PER = 2048
D_IN = 64
K_NBR = 32
RATIO = 0.25
R = 0.2
M_PER = int(N_PER * RATIO)
H1 = 128
H2 = 256
HG = 256


def fps_single(pos, m):
    # classic farthest point sampling, O(m*n), returns m local indices
    n = pos.shape[0]
    dists0 = jnp.full((n,), jnp.inf, dtype=pos.dtype)

    def step(carry, _):
        dists, last = carry
        d = jnp.sum((pos - pos[last]) ** 2, axis=1)
        dists = jnp.minimum(dists, d)
        nxt = jnp.argmax(dists).astype(jnp.int32)
        return (dists, nxt), last

    (_, _), idxs = jax.lax.scan(step, (dists0, jnp.array(0, dtype=jnp.int32)), None, length=m)
    return idxs


def setup_inputs(seed: int = 0) -> dict:
    key = jax.random.key(seed)
    ks = jax.random.split(key, 10)
    x = jax.random.normal(ks[0], (B * N_PER, D_IN), dtype=jnp.float32)
    pos = jax.random.uniform(ks[1], (B * N_PER, 3), dtype=jnp.float32)
    batch = jnp.repeat(jnp.arange(B), N_PER)
    point2curveidx = jnp.sort(jax.random.randint(ks[2], (B * N_PER,), 0, 256))
    W1 = jax.random.normal(ks[3], (D_IN + 3, H1), dtype=jnp.float32) * (2.0 / (D_IN + 3)) ** 0.5
    b1 = jnp.zeros((H1,), dtype=jnp.float32)
    W2 = jax.random.normal(ks[4], (H1, H2), dtype=jnp.float32) * (2.0 / H1) ** 0.5
    b2 = jnp.zeros((H2,), dtype=jnp.float32)
    Wg = jax.random.normal(ks[5], (H2, HG), dtype=jnp.float32) * (2.0 / H2) ** 0.5
    bg = jnp.zeros((HG,), dtype=jnp.float32)
    return {"x": x, "pos": pos, "batch": batch, "point2curveidx": point2curveidx,
            "W1": W1, "b1": b1, "W2": W2, "b2": b2, "Wg": Wg, "bg": bg}


def reference(x, pos, batch, point2curveidx, W1, b1, W2, b2, Wg, bg):
    pos_r = pos.reshape(B, N_PER, 3)
    x_r = x.reshape(B, N_PER, D_IN)
    # FPS per cloud (fps_pytorch3d with ratio)
    idx_local = jax.vmap(lambda p: fps_single(p, M_PER))(pos_r)  # [B, M]
    pos_s = jnp.take_along_axis(pos_r, idx_local[:, :, None], axis=1)  # [B, M, 3]
    # radius grouping within each cloud, capped at K_NBR neighbors (radius_1d_group_subset)
    d2 = jnp.sum((pos_s[:, :, None, :] - pos_r[:, None, :, :]) ** 2, axis=-1)  # [B, M, N]
    neg = jnp.where(d2 <= R * R, -d2, -jnp.inf)
    vals, nidx = jax.lax.top_k(neg, K_NBR)  # [B, M, K]
    valid = jnp.isfinite(vals)
    # PointNetConv2: message = nn([x_j, pos_j - pos_i]), max-aggregate, then global_nn
    x_j = jax.vmap(lambda a, i: a[i])(x_r, nidx)       # [B, M, K, D_IN]
    pos_j = jax.vmap(lambda a, i: a[i])(pos_r, nidx)    # [B, M, K, 3]
    rel = pos_j - pos_s[:, :, None, :]
    h = jnp.concatenate([x_j, rel], axis=-1)            # [B, M, K, D_IN+3]
    h = jax.nn.relu(h @ W1 + b1)
    h = jax.nn.relu(h @ W2 + b2)
    h = jnp.where(valid[..., None], h, -1e10)
    agg = jnp.max(h, axis=2)                             # [B, M, H2]
    out = jax.nn.relu(agg @ Wg + bg)                     # [B, M, HG]
    x_out = out.reshape(B * M_PER, HG)
    idx_global = (idx_local.astype(jnp.int32) + (jnp.arange(B, dtype=jnp.int32) * N_PER)[:, None]).reshape(-1)
    pos_out = pos[idx_global]
    batch_out = batch[idx_global]
    curve_out = point2curveidx[idx_global]
    return (x_out, pos_out, batch_out, curve_out, idx_global)

if __name__ == "__main__":
    import jax
    _d = setup_inputs()
    print(jax.jit(kernel)(*tuple(_d.values())))

</pallas_src>

<mosaic_0001>
#map = affine_map<(d0, d1) -> (0, 0)>
#map1 = affine_map<(d0, d1) -> (0)>
module attributes {stable_mosaic.version = 14 : i64} {
  func.func @_sc_gather_body(%arg0: i32, %arg1: i32, %arg2: memref<8192x64xf32, #tpu.memory_space<hbm>>, %arg3: memref<8192x16xf32, #tpu.memory_space<hbm>>, %arg4: memref<2048x16xf32, #tpu.memory_space<hbm>>, %arg5: memref<65536xi32, #tpu.memory_space<hbm>>, %arg6: memref<65536xi32, #tpu.memory_space<hbm>>, %arg7: memref<2048xi32, #tpu.memory_space<hbm>>, %arg8: memref<65536x64xf32, #tpu.memory_space<hbm>>, %arg9: memref<65536x16xf32, #tpu.memory_space<hbm>>, %arg10: memref<2048x16xf32, #tpu.memory_space<hbm>>, %arg11: memref<2048xi32, #tpu.memory_space<vmem>>, %arg12: memref<2048xi32, #tpu.memory_space<vmem>>, %arg13: memref<512x64xf32, #tpu.memory_space<vmem>>, %arg14: memref<512x64xf32, #tpu.memory_space<vmem>>, %arg15: memref<512x16xf32, #tpu.memory_space<vmem>>, %arg16: memref<512x16xf32, #tpu.memory_space<vmem>>, %arg17: memref<512x16xf32, #tpu.memory_space<vmem>>, %arg18: memref<64xi32, #tpu.memory_space<vmem>>, %arg19: memref<64x16xf32, #tpu.memory_space<vmem>>, %arg20: memref<!tpu.dma_semaphore, #tpu.memory_space<semaphore_mem>>, %arg21: memref<!tpu.dma_semaphore, #tpu.memory_space<semaphore_mem>>, %arg22: memref<!tpu.dma_semaphore, #tpu.memory_space<semaphore_mem>>, %arg23: memref<!tpu.dma_semaphore, #tpu.memory_space<semaphore_mem>>) attributes {dimension_semantics = [#tpu.dimension_semantics<core_parallel>, #tpu.dimension_semantics<subcore_parallel>], iteration_bounds = array<i64: 2, 16>, scalar_prefetch = 0 : i64, scratch_operands = 13 : i64, tpu.core_type = #tpu.core_type<sc_vector_subcore>, window_params = [{transform_indices = #map}, {transform_indices = #map}, {transform_indices = #map}, {transform_indices = #map1}, {transform_indices = #map1}, {transform_indices = #map1}, {transform_indices = #map}, {transform_indices = #map}, {transform_indices = #map}]} {
    %mul3A = arith.constant 2 : i32
    %mul3A_0 = arith.muli %arg1, %mul3A : i32
    %add3A = arith.addi %mul3A_0, %arg0 : i32
    %mul3A_1 = arith.constant 2048 : i32
    %mul3A_2 = arith.muli %add3A, %mul3A_1 : i32
    "tpu.region"() ({
      %run_scoped3A = tpu.sem_alloc : memref<!tpu.dma_semaphore, #tpu.memory_space<semaphore_mem>>
      %dma_start3A_172 = tpu.memref_slice %arg5[%mul3A_2] : memref<65536xi32, #tpu.memory_space<hbm>> -> memref<2048xi32, #tpu.memory_space<hbm>>
      %dma_start3A_173 = tpu.memref_slice %arg5[%mul3A_2] : memref<65536xi32, #tpu.memory_space<hbm>> -> memref<2048xi32, #tpu.memory_space<hbm>>
      tpu.enqueue_dma source(%dma_start3A_173 : memref<2048xi32, #tpu.memory_space<hbm>>) target(%arg11 : memref<2048xi32, #tpu.memory_space<vmem>>) target_semaphore(%run_scoped3A : memref<!tpu.dma_semaphore, #tpu.memory_space<semaphore_mem>>)
      %dma_wait3A_174 = tpu.memref_slice %arg5[%mul3A_2] : memref<65536xi32, #tpu.memory_space<hbm>> -> memref<2048xi32, #tpu.memory_space<hbm>>
      %dma_wait3A_175 = tpu.memref_slice %arg5[%mul3A_2] : memref<65536xi32, #tpu.memory_space<hbm>> -> memref<2048xi32, #tpu.memory_space<hbm>>
      tpu.wait_dma2 semaphore(%run_scoped3A : memref<!tpu.dma_semaphore, #tpu.memory_space<semaphore_mem>>) src(%dma_wait3A_175 : memref<2048xi32, #tpu.memory_space<hbm>>) dst(%arg11 : memref<2048xi32, #tpu.memory_space<vmem>>)
      tpu.yield
    }) : () -> ()
    "tpu.region"() ({
      %run_scoped3A = tpu.sem_alloc : memref<!tpu.dma_semaphore, #tpu.memory_space<semaphore_mem>>
      %dma_start3A_172 = tpu.memref_slice %arg6[%mul3A_2] : memref<65536xi32, #tpu.memory_space<hbm>> -> memref<2048xi32, #tpu.memory_space<hbm>>
      %dma_start3A_173 = tpu.memref_slice %arg6[%mul3A_2] : memref<65536xi32, #tpu.memory_space<hbm>> -> memref<2048xi32, #tpu.memory_space<hbm>>
      tpu.enqueue_dma source(%dma_start3A_173 : memref<2048xi32, #tpu.memory_space<hbm>>) target(%arg12 : memref<2048xi32, #tpu.memory_space<vmem>>) target_semaphore(%run_scoped3A : memref<!tpu.dma_semaphore, #tpu.memory_space<semaphore_mem>>)
      %dma_wait3A_174 = tpu.memref_slice %arg6[%mul3A_2] : memref<65536xi32, #tpu.memory_space<hbm>> -> memref<2048xi32, #tpu.memory_space<hbm>>
      %dma_wait3A_175 = tpu.memref_slice %arg6[%mul3A_2] : memref<65536xi32, #tpu.memory_space<hbm>> -> memref<2048xi32, #tpu.memory_space<hbm>>
      tpu.wait_dma2 semaphore(%run_scoped3A : memref<!tpu.dma_semaphore, #tpu.memory_space<semaphore_mem>>) src(%dma_wait3A_175 : memref<2048xi32, #tpu.memory_space<hbm>>) dst(%arg12 : memref<2048xi32, #tpu.memory_space<vmem>>)
      tpu.yield
    }) : () -> ()
    %mul3A_3 = arith.constant 64 : i32
    %mul3A_4 = arith.muli %add3A, %mul3A_3 : i32
    "tpu.region"() ({
      %run_scoped3A = tpu.sem_alloc : memref<!tpu.dma_semaphore, #tpu.memory_space<semaphore_mem>>
      %dma_start3A_172 = tpu.memref_slice %arg7[%mul3A_4] : memref<2048xi32, #tpu.memory_space<hbm>> -> memref<64xi32, #tpu.memory_space<hbm>>
      %dma_start3A_173 = tpu.memref_slice %arg7[%mul3A_4] : memref<2048xi32, #tpu.memory_space<hbm>> -> memref<64xi32, #tpu.memory_space<hbm>>
      tpu.enqueue_dma source(%dma_start3A_173 : memref<64xi32, #tpu.memory_space<hbm>>) target(%arg18 : memref<64xi32, #tpu.memory_space<vmem>>) target_semaphore(%run_scoped3A : memref<!tpu.dma_semaphore, #tpu.memory_space<semaphore_mem>>)
      %dma_wait3A_174 = tpu.memref_slice %arg7[%mul3A_4] : memref<2048xi32, #tpu.memory_space<hbm>> -> memref<64xi32, #tpu.memory_space<hbm>>
      %dma_wait3A_175 = tpu.memref_slice %arg7[%mul3A_4] : memref<2048xi32, #tpu.memory_space<hbm>> -> memref<64xi32, #tpu.memory_space<hbm>>
      tpu.wait_dma2 semaphore(%run_scoped3A : memref<!tpu.dma_semaphore, #tpu.memory_space<semaphore_mem>>) src(%dma_wait3A_175 : memref<64xi32, #tpu.memory_space<hbm>>) dst(%arg18 : memref<64xi32, #tpu.memory_space<vmem>>)
      tpu.yield
    }) : () -> ()
    %dma_start3A = arith.constant 0 : i32
    %dma_start3A_5 = arith.constant 0 : i32
    %dma_start3A_6 = tpu.memref_slice %arg3[%dma_start3A, %dma_start3A_5] : memref<8192x16xf32, #tpu.memory_space<hbm>> -> memref<8192x16xf32, #tpu.memory_space<hbm>>
    tpu.enqueue_indirect_dma source(%dma_start3A_6 : memref<8192x16xf32, #tpu.memory_space<hbm>>) target(%arg19 : memref<64x16xf32, #tpu.memory_space<vmem>>) offsets(%arg18 : memref<64xi32, #tpu.memory_space<vmem>>) semaphore(%arg23 : memref<!tpu.dma_semaphore, #tpu.memory_space<semaphore_mem>>)
    %dma_start3A_7 = arith.constant 0 : i32
    %dma_start3A_8 = tpu.memref_slice %arg11[%dma_start3A_7] : memref<2048xi32, #tpu.memory_space<vmem>> -> memref<512xi32, #tpu.memory_space<vmem>>
    %dma_start3A_9 = arith.constant 0 : i32
    %dma_start3A_10 = arith.constant 0 : i32
    %dma_start3A_11 = tpu.memref_slice %arg2[%dma_start3A_9, %dma_start3A_10] : memref<8192x64xf32, #tpu.memory_space<hbm>> -> memref<8192x64xf32, #tpu.memory_space<hbm>>
    tpu.enqueue_indirect_dma source(%dma_start3A_11 : memref<8192x64xf32, #tpu.memory_space<hbm>>) target(%arg13 : memref<512x64xf32, #tpu.memory_space<vmem>>) offsets(%dma_start3A_8 : memref<512xi32, #tpu.memory_space<vmem>>) semaphore(%arg20 : memref<!tpu.dma_semaphore, #tpu.memory_space<semaphore_mem>>)
    %dma_start3A_12 = arith.constant 512 : i32
    %dma_start3A_13 = tpu.memref_slice %arg11[%dma_start3A_12] : memref<2048xi32, #tpu.memory_space<vmem>> -> memref<512xi32, #tpu.memory_space<vmem>>
    %dma_start3A_14 = arith.constant 0 : i32
    %dma_start3A_15 = arith.constant 0 : i32
    %dma_start3A_16 = tpu.memref_slice %arg2[%dma_start3A_14, %dma_start3A_15] : memref<8192x64xf32, #tpu.memory_space<hbm>> -> memref<8192x64xf32, #tpu.memory_space<hbm>>
    tpu.enqueue_indirect_dma source(%dma_start3A_16 : memref<8192x64xf32, #tpu.memory_space<hbm>>) target(%arg14 : memref<512x64xf32, #tpu.memory_space<vmem>>) offsets(%dma_start3A_13 : memref<512xi32, #tpu.memory_space<vmem>>) semaphore(%arg21 : memref<!tpu.dma_semaphore, #tpu.memory_space<semaphore_mem>>)
    %dma_start3A_17 = arith.constant 0 : i32
    %dma_start3A_18 = tpu.memref_slice %arg11[%dma_start3A_17] : memref<2048xi32, #tpu.memory_space<vmem>> -> memref<512xi32, #tpu.memory_space<vmem>>
    %dma_start3A_19 = arith.constant 0 : i32
    %dma_start3A_20 = arith.constant 0 : i32
    %dma_start3A_21 = tpu.memref_slice %arg3[%dma_start3A_19, %dma_start3A_20] : memref<8192x16xf32, #tpu.memory_space<hbm>> -> memref<8192x16xf32, #tpu.memory_space<hbm>>
    tpu.enqueue_indirect_dma source(%dma_start3A_21 : memref<8192x16xf32, #tpu.memory_space<hbm>>) target(%arg15 : memref<512x16xf32, #tpu.memory_space<vmem>>) offsets(%dma_start3A_18 : memref<512xi32, #tpu.memory_space<vmem>>) semaphore(%arg22 : memref<!tpu.dma_semaphore, #tpu.memory_space<semaphore_mem>>)
    %dma_start3A_22 = arith.constant 0 : i32
    %dma_start3A_23 = tpu.memref_slice %arg12[%dma_start3A_22] : memref<2048xi32, #tpu.memory_space<vmem>> -> memref<512xi32, #tpu.memory_space<vmem>>
    %dma_start3A_24 = arith.constant 0 : i32
    %dma_start3A_25 = arith.constant 0 : i32
    %dma_start3A_26 = tpu.memref_slice %arg4[%dma_start3A_24, %dma_start3A_25] : memref<2048x16xf32, #tpu.memory_space<hbm>> -> memref<2048x16xf32, #tpu.memory_space<hbm>>
    tpu.enqueue_indirect_dma source(%dma_start3A_26 : memref<2048x16xf32, #tpu.memory_space<hbm>>) target(%arg16 : memref<512x16xf32, #tpu.memory_space<vmem>>) offsets(%dma_start3A_23 : memref<512xi32, #tpu.memory_space<vmem>>) semaphore(%arg22 : memref<!tpu.dma_semaphore, #tpu.memory_space<semaphore_mem>>)
    %dma_wait3A = arith.constant 0 : i32
    %dma_wait3A_27 = tpu.memref_slice %arg11[%dma_wait3A] : memref<2048xi32, #tpu.memory_space<vmem>> -> memref<512xi32, #tpu.memory_space<vmem>>
    %dma_wait3A_28 = arith.constant 0 : i32
    %dma_wait3A_29 = arith.constant 0 : i32
    %dma_wait3A_30 = tpu.memref_slice %arg3[%dma_wait3A_28, %dma_wait3A_29] : memref<8192x16xf32, #tpu.memory_space<hbm>> -> memref<8192x16xf32, #tpu.memory_space<hbm>>
    tpu.wait_indirect_dma semaphore(%arg22 : memref<!tpu.dma_semaphore, #tpu.memory_space<semaphore_mem>>) src(%dma_wait3A_30 : memref<8192x16xf32, #tpu.memory_space<hbm>>) dst(%arg15 : memref<512x16xf32, #tpu.memory_space<vmem>>)
    %dma_wait3A_31 = arith.constant 0 : i32
    %dma_wait3A_32 = tpu.memref_slice %arg12[%dma_wait3A_31] : memref<2048xi32, #tpu.memory_space<vmem>> -> memref<512xi32, #tpu.memory_space<vmem>>
    %dma_wait3A_33 = arith.constant 0 : i32
    %dma_wait3A_34 = arith.constant 0 : i32
    %dma_wait3A_35 = tpu.memref_slice %arg4[%dma_wait3A_33, %dma_wait3A_34] : memref<2048x16xf32, #tpu.memory_space<hbm>> -> memref<2048x16xf32, #tpu.memory_space<hbm>>
    tpu.wait_indirect_dma semaphore(%arg22 : memref<!tpu.dma_semaphore, #tpu.memory_space<semaphore_mem>>) src(%dma_wait3A_35 : memref<2048x16xf32, #tpu.memory_space<hbm>>) dst(%arg16 : memref<512x16xf32, #tpu.memory_space<vmem>>)
    %scan3A = arith.constant 0 : i32
    %scan3A_36 = arith.constant 0 : i32
    %scan3A_37 = arith.constant 512 : i32
    %scan3A_38 = arith.addi %scan3A_36, %scan3A_37 : i32
    %scan3A_39 = arith.constant 1 : i32
    %scan3A_40 = scf.for %scan3A_172 = %scan3A_36 to %scan3A_38 step %scan3A_39 iter_args(%scan3A_173 = %scan3A) -> (i32)  : i32 {
      %get3A = arith.index_cast %scan3A_172 : i32 to index
      %get3A_174 = arith.constant 0 : index
      %get3A_175 = tpu.vector_load %arg15[%get3A, %get3A_174] {strides = array<i32>} : memref<512x16xf32, #tpu.memory_space<vmem>>, vector<1x16xf32>,
      %get3A_176 = vector.shape_cast %get3A_175 : vector<1x16xf32> to vector<16xf32>
      %get3A_177 = arith.index_cast %scan3A_172 : i32 to index
      %get3A_178 = arith.constant 0 : index
      %get3A_179 = tpu.vector_load %arg16[%get3A_177, %get3A_178] {strides = array<i32>} : memref<512x16xf32, #tpu.memory_space<vmem>>, vector<1x16xf32>,
      %get3A_180 = vector.shape_cast %get3A_179 : vector<1x16xf32> to vector<16xf32>
      %sub3A = arith.subf %get3A_176, %get3A_180 : vector<16xf32>
      %swap3A = arith.index_cast %scan3A_172 : i32 to index
      %swap3A_181 = arith.constant 0 : index
      %swap3A_182 = tpu.vector_load %arg17[%swap3A, %swap3A_181] {strides = array<i32>} : memref<512x16xf32, #tpu.memory_space<vmem>>, vector<1x16xf32>,
      %swap3A_183 = vector.shape_cast %swap3A_182 : vector<1x16xf32> to vector<16xf32>
      %swap3A_184 = vector.shape_cast %sub3A : vector<16xf32> to vector<1x16xf32>
      tpu.vector_store %arg17[%swap3A, %swap3A_181], %swap3A_184 {strides = array<i32>} : memref<512x16xf32, #tpu.memory_space<vmem>>, vector<1x16xf32>,
      %scan3A_185 = arith.constant 0 : i32
      scf.yield %scan3A_185 : i32
    }
    %scan3A_41 = arith.constant 512 : i32
    %add3A_42 = arith.constant 0 : i32
    %add3A_43 = arith.addi %mul3A_2, %add3A_42 : i32
    "tpu.region"() ({
      %run_scoped3A = tpu.sem_alloc : memref<!tpu.dma_semaphore, #tpu.memory_space<semaphore_mem>>
      %dma_start3A_172 = arith.constant 0 : i32
      %dma_start3A_173 = tpu.memref_slice %arg9[%add3A_43, %dma_start3A_172] : memref<65536x16xf32, #tpu.memory_space<hbm>> -> memref<512x16xf32, #tpu.memory_space<hbm>>
      %dma_start3A_174 = arith.constant 0 : i32
      %dma_start3A_175 = tpu.memref_slice %arg9[%add3A_43, %dma_start3A_174] : memref<65536x16xf32, #tpu.memory_space<hbm>> -> memref<512x16xf32, #tpu.memory_space<hbm>>
      tpu.enqueue_dma source(%arg17 : memref<512x16xf32, #tpu.memory_space<vmem>>) target(%dma_start3A_175 : memref<512x16xf32, #tpu.memory_space<hbm>>) target_semaphore(%run_scoped3A : memref<!tpu.dma_semaphore, #tpu.memory_space<semaphore_mem>>)
      %dma_wait3A_176 = arith.constant 0 : i32
      %dma_wait3A_177 = tpu.memref_slice %arg9[%add3A_43, %dma_wait3A_176] : memref<65536x16xf32, #tpu.memory_space<hbm>> -> memref<512x16xf32, #tpu.memory_space<hbm>>
      %dma_wait3A_178 = arith.constant 0 : i32
      %dma_wait3A_179 = tpu.memref_slice %arg9[%add3A_43, %dma_wait3A_178] : memref<65536x16xf32, #tpu.memory_space<hbm>> -> memref<512x16xf32, #tpu.memory_space<hbm>>
      tpu.wait_dma2 semaphore(%run_scoped3A : memref<!tpu.dma_semaphore, #tpu.memory_space<semaphore_mem>>) src(%arg17 : memref<512x16xf32, #tpu.memory_space<vmem>>) dst(%dma_wait3A_179 : memref<512x16xf32, #tpu.memory_space<hbm>>)
      tpu.yield
    }) : () -> ()
    %dma_wait3A_44 = arith.constant 0 : i32
    %dma_wait3A_45 = tpu.memref_slice %arg11[%dma_wait3A_44] : memref<2048xi32, #tpu.memory_space<vmem>> -> memref<512xi32, #tpu.memory_space<vmem>>
    %dma_wait3A_46 = arith.constant 0 : i32
    %dma_wait3A_47 = arith.constant 0 : i32
    %dma_wait3A_48 = tpu.memref_slice %arg2[%dma_wait3A_46, %dma_wait3A_47] : memref<8192x64xf32, #tpu.memory_space<hbm>> -> memref<8192x64xf32, #tpu.memory_space<hbm>>
    tpu.wait_indirect_dma semaphore(%arg20 : memref<!tpu.dma_semaphore, #tpu.memory_space<semaphore_mem>>) src(%dma_wait3A_48 : memref<8192x64xf32, #tpu.memory_space<hbm>>) dst(%arg13 : memref<512x64xf32, #tpu.memory_space<vmem>>)
    %add3A_49 = arith.constant 0 : i32
    %add3A_50 = arith.addi %mul3A_2, %add3A_49 : i32
    "tpu.region"() ({
      %run_scoped3A = tpu.sem_alloc : memref<!tpu.dma_semaphore, #tpu.memory_space<semaphore_mem>>
      %dma_start3A_172 = arith.constant 0 : i32
      %dma_start3A_173 = tpu.memref_slice %arg8[%add3A_50, %dma_start3A_172] : memref<65536x64xf32, #tpu.memory_space<hbm>> -> memref<512x64xf32, #tpu.memory_space<hbm>>
      %dma_start3A_174 = arith.constant 0 : i32
      %dma_start3A_175 = tpu.memref_slice %arg8[%add3A_50, %dma_start3A_174] : memref<65536x64xf32, #tpu.memory_space<hbm>> -> memref<512x64xf32, #tpu.memory_space<hbm>>
      tpu.enqueue_dma source(%arg13 : memref<512x64xf32, #tpu.memory_space<vmem>>) target(%dma_start3A_175 : memref<512x64xf32, #tpu.memory_space<hbm>>) target_semaphore(%run_scoped3A : memref<!tpu.dma_semaphore, #tpu.memory_space<semaphore_mem>>)
      %dma_wait3A_176 = arith.constant 0 : i32
      %dma_wait3A_177 = tpu.memref_slice %arg8[%add3A_50, %dma_wait3A_176] : memref<65536x64xf32, #tpu.memory_space<hbm>> -> memref<512x64xf32, #tpu.memory_space<hbm>>
      %dma_wait3A_178 = arith.constant 0 : i32
      %dma_wait3A_179 = tpu.memref_slice %arg8[%add3A_50, %dma_wait3A_178] : memref<65536x64xf32, #tpu.memory_space<hbm>> -> memref<512x64xf32, #tpu.memory_space<hbm>>
      tpu.wait_dma2 semaphore(%run_scoped3A : memref<!tpu.dma_semaphore, #tpu.memory_space<semaphore_mem>>) src(%arg13 : memref<512x64xf32, #tpu.memory_space<vmem>>) dst(%dma_wait3A_179 : memref<512x64xf32, #tpu.memory_space<hbm>>)
      tpu.yield
    }) : () -> ()
    %dma_start3A_51 = arith.constant 1024 : i32
    %dma_start3A_52 = tpu.memref_slice %arg11[%dma_start3A_51] : memref<2048xi32, #tpu.memory_space<vmem>> -> memref<512xi32, #tpu.memory_space<vmem>>
    %dma_start3A_53 = arith.constant 0 : i32
    %dma_start3A_54 = arith.constant 0 : i32
    %dma_start3A_55 = tpu.memref_slice %arg2[%dma_start3A_53, %dma_start3A_54] : memref<8192x64xf32, #tpu.memory_space<hbm>> -> memref<8192x64xf32, #tpu.memory_space<hbm>>
    tpu.enqueue_indirect_dma source(%dma_start3A_55 : memref<8192x64xf32, #tpu.memory_space<hbm>>) target(%arg13 : memref<512x64xf32, #tpu.memory_space<vmem>>) offsets(%dma_start3A_52 : memref<512xi32, #tpu.memory_space<vmem>>) semaphore(%arg20 : memref<!tpu.dma_semaphore, #tpu.memory_space<semaphore_mem>>)
    %dma_start3A_56 = arith.constant 512 : i32
    %dma_start3A_57 = tpu.memref_slice %arg11[%dma_start3A_56] : memref<2048xi32, #tpu.memory_space<vmem>> -> memref<512xi32, #tpu.memory_space<vmem>>
    %dma_start3A_58 = arith.constant 0 : i32
    %dma_start3A_59 = arith.constant 0 : i32
    %dma_start3A_60 = tpu.memref_slice %arg3[%dma_start3A_58, %dma_start3A_59] : memref<8192x16xf32, #tpu.memory_space<hbm>> -> memref<8192x16xf32, #tpu.memory_space<hbm>>
    tpu.enqueue_indirect_dma source(%dma_start3A_60 : memref<8192x16xf32, #tpu.memory_space<hbm>>) target(%arg15 : memref<512x16xf32, #tpu.memory_space<vmem>>) offsets(%dma_start3A_57 : memref<512xi32, #tpu.memory_space<vmem>>) semaphore(%arg22 : memref<!tpu.dma_semaphore, #tpu.memory_space<semaphore_mem>>)
    %dma_start3A_61 = arith.constant 512 : i32
    %dma_start3A_62 = tpu.memref_slice %arg12[%dma_start3A_61] : memref<2048xi32, #tpu.memory_space<vmem>> -> memref<512xi32, #tpu.memory_space<vmem>>
    %dma_start3A_63 = arith.constant 0 : i32
    %dma_start3A_64 = arith.constant 0 : i32
    %dma_start3A_65 = tpu.memref_slice %arg4[%dma_start3A_63, %dma_start3A_64] : memref<2048x16xf32, #tpu.memory_space<hbm>> -> memref<2048x16xf32, #tpu.memory_space<hbm>>
    tpu.enqueue_indirect_dma source(%dma_start3A_65 : memref<2048x16xf32, #tpu.memory_space<hbm>>) target(%arg16 : memref<512x16xf32, #tpu.memory_space<vmem>>) offsets(%dma_start3A_62 : memref<512xi32, #tpu.memory_space<vmem>>) semaphore(%arg22 : memref<!tpu.dma_semaphore, #tpu.memory_space<semaphore_mem>>)
    %dma_wait3A_66 = arith.constant 512 : i32
    %dma_wait3A_67 = tpu.memref_slice %arg11[%dma_wait3A_66] : memref<2048xi32, #tpu.memory_space<vmem>> -> memref<512xi32, #tpu.memory_space<vmem>>
    %dma_wait3A_68 = arith.constant 0 : i32
    %dma_wait3A_69 = arith.constant 0 : i32
    %dma_wait3A_70 = tpu.memref_slice %arg3[%dma_wait3A_68, %dma_wait3A_69] : memref<8192x16xf32, #tpu.memory_space<hbm>> -> memref<8192x16xf32, #tpu.memory_space<hbm>>
    tpu.wait_indirect_dma semaphore(%arg22 : memref<!tpu.dma_semaphore, #tpu.memory_space<semaphore_mem>>) src(%dma_wait3A_70 : memref<8192x16xf32, #tpu.memory_space<hbm>>) dst(%arg15 : memref<512x16xf32, #tpu.memory_space<vmem>>)
    %dma_wait3A_71 = arith.constant 512 : i32
    %dma_wait3A_72 = tpu.memref_slice %arg12[%dma_wait3A_71] : memref<2048xi32, #tpu.memory_space<vmem>> -> memref<512xi32, #tpu.memory_space<vmem>>
    %dma_wait3A_73 = arith.constant 0 : i32
    %dma_wait3A_74 = arith.constant 0 : i32
    %dma_wait3A_75 = tpu.memref_slice %arg4[%dma_wait3A_73, %dma_wait3A_74] : memref<2048x16xf32, #tpu.memory_space<hbm>> -> memref<2048x16xf32, #tpu.memory_space<hbm>>
    tpu.wait_indirect_dma semaphore(%arg22 : memref<!tpu.dma_semaphore, #tpu.memory_space<semaphore_mem>>) src(%dma_wait3A_75 : memref<2048x16xf32, #tpu.memory_space<hbm>>) dst(%arg16 : memref<512x16xf32, #tpu.memory_space<vmem>>)
    %scan3A_76 = arith.constant 0 : i32
    %scan3A_77 = arith.constant 0 : i32
    %scan3A_78 = arith.constant 512 : i32
    %scan3A_79 = arith.addi %scan3A_77, %scan3A_78 : i32
    %scan3A_80 = arith.constant 1 : i32
    %scan3A_81 = scf.for %scan3A_172 = %scan3A_77 to %scan3A_79 step %scan3A_80 iter_args(%scan3A_173 = %scan3A_76) -> (i32)  : i32 {
      %get3A = arith.index_cast %scan3A_172 : i32 to index
      %get3A_174 = arith.constant 0 : index
      %get3A_175 = tpu.vector_load %arg15[%get3A, %get3A_174] {strides = array<i32>} : memref<512x16xf32, #tpu.memory_space<vmem>>, vector<1x16xf32>,
      %get3A_176 = vector.shape_cast %get3A_175 : vector<1x16xf32> to vector<16xf32>
      %get3A_177 = arith.index_cast %scan3A_172 : i32 to index
      %get3A_178 = arith.constant 0 : index
      %get3A_179 = tpu.vector_load %arg16[%get3A_177, %get3A_178] {strides = array<i32>} : memref<512x16xf32, #tpu.memory_space<vmem>>, vector<1x16xf32>,
      %get3A_180 = vector.shape_cast %get3A_179 : vector<1x16xf32> to vector<16xf32>
      %sub3A = arith.subf %get3A_176, %get3A_180 : vector<16xf32>
      %swap3A = arith.index_cast %scan3A_172 : i32 to index
      %swap3A_181 = arith.constant 0 : index
      %swap3A_182 = tpu.vector_load %arg17[%swap3A, %swap3A_181] {strides = array<i32>} : memref<512x16xf32, #tpu.memory_space<vmem>>, vector<1x16xf32>,
      %swap3A_183 = vector.shape_cast %swap3A_182 : vector<1x16xf32> to vector<16xf32>
      %swap3A_184 = vector.shape_cast %sub3A : vector<16xf32> to vector<1x16xf32>
      tpu.vector_store %arg17[%swap3A, %swap3A_181], %swap3A_184 {strides = array<i32>} : memref<512x16xf32, #tpu.memory_space<vmem>>, vector<1x16xf32>,
      %scan3A_185 = arith.constant 0 : i32
      scf.yield %scan3A_185 : i32
    }
    %scan3A_82 = arith.constant 512 : i32
    %add3A_83 = arith.constant 512 : i32
    %add3A_84 = arith.addi %mul3A_2, %add3A_83 : i32
    "tpu.region"() ({
      %run_scoped3A = tpu.sem_alloc : memref<!tpu.dma_semaphore, #tpu.memory_space<semaphore_mem>>
      %dma_start3A_172 = arith.constant 0 : i32
      %dma_start3A_173 = tpu.memref_slice %arg9[%add3A_84, %dma_start3A_172] : memref<65536x16xf32, #tpu.memory_space<hbm>> -> memref<512x16xf32, #tpu.memory_space<hbm>>
      %dma_start3A_174 = arith.constant 0 : i32
      %dma_start3A_175 = tpu.memref_slice %arg9[%add3A_84, %dma_start3A_174] : memref<65536x16xf32, #tpu.memory_space<hbm>> -> memref<512x16xf32, #tpu.memory_space<hbm>>
      tpu.enqueue_dma source(%arg17 : memref<512x16xf32, #tpu.memory_space<vmem>>) target(%dma_start3A_175 : memref<512x16xf32, #tpu.memory_space<hbm>>) target_semaphore(%run_scoped3A : memref<!tpu.dma_semaphore, #tpu.memory_space<semaphore_mem>>)
      %dma_wait3A_176 = arith.constant 0 : i32
      %dma_wait3A_177 = tpu.memref_slice %arg9[%add3A_84, %dma_wait3A_176] : memref<65536x16xf32, #tpu.memory_space<hbm>> -> memref<512x16xf32, #tpu.memory_space<hbm>>
      %dma_wait3A_178 = arith.constant 0 : i32
      %dma_wait3A_179 = tpu.memref_slice %arg9[%add3A_84, %dma_wait3A_178] : memref<65536x16xf32, #tpu.memory_space<hbm>> -> memref<512x16xf32, #tpu.memory_space<hbm>>
      tpu.wait_dma2 semaphore(%run_scoped3A : memref<!tpu.dma_semaphore, #tpu.memory_space<semaphore_mem>>) src(%arg17 : memref<512x16xf32, #tpu.memory_space<vmem>>) dst(%dma_wait3A_179 : memref<512x16xf32, #tpu.memory_space<hbm>>)
      tpu.yield
    }) : () -> ()
    %dma_wait3A_85 = arith.constant 512 : i32
    %dma_wait3A_86 = tpu.memref_slice %arg11[%dma_wait3A_85] : memref<2048xi32, #tpu.memory_space<vmem>> -> memref<512xi32, #tpu.memory_space<vmem>>
    %dma_wait3A_87 = arith.constant 0 : i32
    %dma_wait3A_88 = arith.constant 0 : i32
    %dma_wait3A_89 = tpu.memref_slice %arg2[%dma_wait3A_87, %dma_wait3A_88] : memref<8192x64xf32, #tpu.memory_space<hbm>> -> memref<8192x64xf32, #tpu.memory_space<hbm>>
    tpu.wait_indirect_dma semaphore(%arg21 : memref<!tpu.dma_semaphore, #tpu.memory_space<semaphore_mem>>) src(%dma_wait3A_89 : memref<8192x64xf32, #tpu.memory_space<hbm>>) dst(%arg14 : memref<512x64xf32, #tpu.memory_space<vmem>>)
    %add3A_90 = arith.constant 512 : i32
    %add3A_91 = arith.addi %mul3A_2, %add3A_90 : i32
    "tpu.region"() ({
      %run_scoped3A = tpu.sem_alloc : memref<!tpu.dma_semaphore, #tpu.memory_space<semaphore_mem>>
      %dma_start3A_172 = arith.constant 0 : i32
      %dma_start3A_173 = tpu.memref_slice %arg8[%add3A_91, %dma_start3A_172] : memref<65536x64xf32, #tpu.memory_space<hbm>> -> memref<512x64xf32, #tpu.memory_space<hbm>>
      %dma_start3A_174 = arith.constant 0 : i32
      %dma_start3A_175 = tpu.memref_slice %arg8[%add3A_91, %dma_start3A_174] : memref<65536x64xf32, #tpu.memory_space<hbm>> -> memref<512x64xf32, #tpu.memory_space<hbm>>
      tpu.enqueue_dma source(%arg14 : memref<512x64xf32, #tpu.memory_space<vmem>>) target(%dma_start3A_175 : memref<512x64xf32, #tpu.memory_space<hbm>>) target_semaphore(%run_scoped3A : memref<!tpu.dma_semaphore, #tpu.memory_space<semaphore_mem>>)
      %dma_wait3A_176 = arith.constant 0 : i32
      %dma_wait3A_177 = tpu.memref_slice %arg8[%add3A_91, %dma_wait3A_176] : memref<65536x64xf32, #tpu.memory_space<hbm>> -> memref<512x64xf32, #tpu.memory_space<hbm>>
      %dma_wait3A_178 = arith.constant 0 : i32
      %dma_wait3A_179 = tpu.memref_slice %arg8[%add3A_91, %dma_wait3A_178] : memref<65536x64xf32, #tpu.memory_space<hbm>> -> memref<512x64xf32, #tpu.memory_space<hbm>>
      tpu.wait_dma2 semaphore(%run_scoped3A : memref<!tpu.dma_semaphore, #tpu.memory_space<semaphore_mem>>) src(%arg14 : memref<512x64xf32, #tpu.memory_space<vmem>>) dst(%dma_wait3A_179 : memref<512x64xf32, #tpu.memory_space<hbm>>)
      tpu.yield
    }) : () -> ()
    %dma_start3A_92 = arith.constant 1536 : i32
    %dma_start3A_93 = tpu.memref_slice %arg11[%dma_start3A_92] : memref<2048xi32, #tpu.memory_space<vmem>> -> memref<512xi32, #tpu.memory_space<vmem>>
    %dma_start3A_94 = arith.constant 0 : i32
    %dma_start3A_95 = arith.constant 0 : i32
    %dma_start3A_96 = tpu.memref_slice %arg2[%dma_start3A_94, %dma_start3A_95] : memref<8192x64xf32, #tpu.memory_space<hbm>> -> memref<8192x64xf32, #tpu.memory_space<hbm>>
    tpu.enqueue_indirect_dma source(%dma_start3A_96 : memref<8192x64xf32, #tpu.memory_space<hbm>>) target(%arg14 : memref<512x64xf32, #tpu.memory_space<vmem>>) offsets(%dma_start3A_93 : memref<512xi32, #tpu.memory_space<vmem>>) semaphore(%arg21 : memref<!tpu.dma_semaphore, #tpu.memory_space<semaphore_mem>>)
    %dma_start3A_97 = arith.constant 1024 : i32
    %dma_start3A_98 = tpu.memref_slice %arg11[%dma_start3A_97] : memref<2048xi32, #tpu.memory_space<vmem>> -> memref<512xi32, #tpu.memory_space<vmem>>
    %dma_start3A_99 = arith.constant 0 : i32
    %dma_start3A_100 = arith.constant 0 : i32
    %dma_start3A_101 = tpu.memref_slice %arg3[%dma_start3A_99, %dma_start3A_100] : memref<8192x16xf32, #tpu.memory_space<hbm>> -> memref<8192x16xf32, #tpu.memory_space<hbm>>
    tpu.enqueue_indirect_dma source(%dma_start3A_101 : memref<8192x16xf32, #tpu.memory_space<hbm>>) target(%arg15 : memref<512x16xf32, #tpu.memory_space<vmem>>) offsets(%dma_start3A_98 : memref<512xi32, #tpu.memory_space<vmem>>) semaphore(%arg22 : memref<!tpu.dma_semaphore, #tpu.memory_space<semaphore_mem>>)
    %dma_start3A_102 = arith.constant 1024 : i32
    %dma_start3A_103 = tpu.memref_slice %arg12[%dma_start3A_102] : memref<2048xi32, #tpu.memory_space<vmem>> -> memref<512xi32, #tpu.memory_space<vmem>>
    %dma_start3A_104 = arith.constant 0 : i32
    %dma_start3A_105 = arith.constant 0 : i32
    %dma_start3A_106 = tpu.memref_slice %arg4[%dma_start3A_104, %dma_start3A_105] : memref<2048x16xf32, #tpu.memory_space<hbm>> -> memref<2048x16xf32, #tpu.memory_space<hbm>>
    tpu.enqueue_indirect_dma source(%dma_start3A_106 : memref<2048x16xf32, #tpu.memory_space<hbm>>) target(%arg16 : memref<512x16xf32, #tpu.memory_space<vmem>>) offsets(%dma_start3A_103 : memref<512xi32, #tpu.memory_space<vmem>>) semaphore(%arg22 : memref<!tpu.dma_semaphore, #tpu.memory_space<semaphore_mem>>)
    %dma_wait3A_107 = arith.constant 1024 : i32
    %dma_wait3A_108 = tpu.memref_slice %arg11[%dma_wait3A_107] : memref<2048xi32, #tpu.memory_space<vmem>> -> memref<512xi32, #tpu.memory_space<vmem>>
    %dma_wait3A_109 = arith.constant 0 : i32
    %dma_wait3A_110 = arith.constant 0 : i32
    %dma_wait3A_111 = tpu.memref_slice %arg3[%dma_wait3A_109, %dma_wait3A_110] : memref<8192x16xf32, #tpu.memory_space<hbm>> -> memref<8192x16xf32, #tpu.memory_space<hbm>>
    tpu.wait_indirect_dma semaphore(%arg22 : memref<!tpu.dma_semaphore, #tpu.memory_space<semaphore_mem>>) src(%dma_wait3A_111 : memref<8192x16xf32, #tpu.memory_space<hbm>>) dst(%arg15 : memref<512x16xf32, #tpu.memory_space<vmem>>)
    %dma_wait3A_112 = arith.constant 1024 : i32
    %dma_wait3A_113 = tpu.memref_slice %arg12[%dma_wait3A_112] : memref<2048xi32, #tpu.memory_space<vmem>> -> memref<512xi32, #tpu.memory_space<vmem>>
    %dma_wait3A_114 = arith.constant 0 : i32
    %dma_wait3A_115 = arith.constant 0 : i32
    %dma_wait3A_116 = tpu.memref_slice %arg4[%dma_wait3A_114, %dma_wait3A_115] : memref<2048x16xf32, #tpu.memory_space<hbm>> -> memref<2048x16xf32, #tpu.memory_space<hbm>>
    tpu.wait_indirect_dma semaphore(%arg22 : memref<!tpu.dma_semaphore, #tpu.memory_space<semaphore_mem>>) src(%dma_wait3A_116 : memref<2048x16xf32, #tpu.memory_space<hbm>>) dst(%arg16 : memref<512x16xf32, #tpu.memory_space<vmem>>)
    %scan3A_117 = arith.constant 0 : i32
    %scan3A_118 = arith.constant 0 : i32
    %scan3A_119 = arith.constant 512 : i32
    %scan3A_120 = arith.addi %scan3A_118, %scan3A_119 : i32
    %scan3A_121 = arith.constant 1 : i32
    %scan3A_122 = scf.for %scan3A_172 = %scan3A_118 to %scan3A_120 step %scan3A_121 iter_args(%scan3A_173 = %scan3A_117) -> (i32)  : i32 {
      %get3A = arith.index_cast %scan3A_172 : i32 to index
      %get3A_174 = arith.constant 0 : index
      %get3A_175 = tpu.vector_load %arg15[%get3A, %get3A_174] {strides = array<i32>} : memref<512x16xf32, #tpu.memory_space<vmem>>, vector<1x16xf32>,
      %get3A_176 = vector.shape_cast %get3A_175 : vector<1x16xf32> to vector<16xf32>
      %get3A_177 = arith.index_cast %scan3A_172 : i32 to index
      %get3A_178 = arith.constant 0 : index
      %get3A_179 = tpu.vector_load %arg16[%get3A_177, %get3A_178] {strides = array<i32>} : memref<512x16xf32, #tpu.memory_space<vmem>>, vector<1x16xf32>,
      %get3A_180 = vector.shape_cast %get3A_179 : vector<1x16xf32> to vector<16xf32>
      %sub3A = arith.subf %get3A_176, %get3A_180 : vector<16xf32>
      %swap3A = arith.index_cast %scan3A_172 : i32 to index
      %swap3A_181 = arith.constant 0 : index
      %swap3A_182 = tpu.vector_load %arg17[%swap3A, %swap3A_181] {strides = array<i32>} : memref<512x16xf32, #tpu.memory_space<vmem>>, vector<1x16xf32>,
      %swap3A_183 = vector.shape_cast %swap3A_182 : vector<1x16xf32> to vector<16xf32>
      %swap3A_184 = vector.shape_cast %sub3A : vector<16xf32> to vector<1x16xf32>
      tpu.vector_store %arg17[%swap3A, %swap3A_181], %swap3A_184 {strides = array<i32>} : memref<512x16xf32, #tpu.memory_space<vmem>>, vector<1x16xf32>,
      %scan3A_185 = arith.constant 0 : i32
      scf.yield %scan3A_185 : i32
    }
    %scan3A_123 = arith.constant 512 : i32
    %add3A_124 = arith.constant 1024 : i32
    %add3A_125 = arith.addi %mul3A_2, %add3A_124 : i32
    "tpu.region"() ({
      %run_scoped3A = tpu.sem_alloc : memref<!tpu.dma_semaphore, #tpu.memory_space<semaphore_mem>>
      %dma_start3A_172 = arith.constant 0 : i32
      %dma_start3A_173 = tpu.memref_slice %arg9[%add3A_125, %dma_start3A_172] : memref<65536x16xf32, #tpu.memory_space<hbm>> -> memref<512x16xf32, #tpu.memory_space<hbm>>
      %dma_start3A_174 = arith.constant 0 : i32
      %dma_start3A_175 = tpu.memref_slice %arg9[%add3A_125, %dma_start3A_174] : memref<65536x16xf32, #tpu.memory_space<hbm>> -> memref<512x16xf32, #tpu.memory_space<hbm>>
      tpu.enqueue_dma source(%arg17 : memref<512x16xf32, #tpu.memory_space<vmem>>) target(%dma_start3A_175 : memref<512x16xf32, #tpu.memory_space<hbm>>) target_semaphore(%run_scoped3A : memref<!tpu.dma_semaphore, #tpu.memory_space<semaphore_mem>>)
      %dma_wait3A_176 = arith.constant 0 : i32
      %dma_wait3A_177 = tpu.memref_slice %arg9[%add3A_125, %dma_wait3A_176] : memref<65536x16xf32, #tpu.memory_space<hbm>> -> memref<512x16xf32, #tpu.memory_space<hbm>>
      %dma_wait3A_178 = arith.constant 0 : i32
      %dma_wait3A_179 = tpu.memref_slice %arg9[%add3A_125, %dma_wait3A_178] : memref<65536x16xf32, #tpu.memory_space<hbm>> -> memref<512x16xf32, #tpu.memory_space<hbm>>
      tpu.wait_dma2 semaphore(%run_scoped3A : memref<!tpu.dma_semaphore, #tpu.memory_space<semaphore_mem>>) src(%arg17 : memref<512x16xf32, #tpu.memory_space<vmem>>) dst(%dma_wait3A_179 : memref<512x16xf32, #tpu.memory_space<hbm>>)
      tpu.yield
    }) : () -> ()
    %dma_wait3A_126 = arith.constant 1024 : i32
    %dma_wait3A_127 = tpu.memref_slice %arg11[%dma_wait3A_126] : memref<2048xi32, #tpu.memory_space<vmem>> -> memref<512xi32, #tpu.memory_space<vmem>>
    %dma_wait3A_128 = arith.constant 0 : i32
    %dma_wait3A_129 = arith.constant 0 : i32
    %dma_wait3A_130 = tpu.memref_slice %arg2[%dma_wait3A_128, %dma_wait3A_129] : memref<8192x64xf32, #tpu.memory_space<hbm>> -> memref<8192x64xf32, #tpu.memory_space<hbm>>
    tpu.wait_indirect_dma semaphore(%arg20 : memref<!tpu.dma_semaphore, #tpu.memory_space<semaphore_mem>>) src(%dma_wait3A_130 : memref<8192x64xf32, #tpu.memory_space<hbm>>) dst(%arg13 : memref<512x64xf32, #tpu.memory_space<vmem>>)
    %add3A_131 = arith.constant 1024 : i32
    %add3A_132 = arith.addi %mul3A_2, %add3A_131 : i32
    "tpu.region"() ({
      %run_scoped3A = tpu.sem_alloc : memref<!tpu.dma_semaphore, #tpu.memory_space<semaphore_mem>>
      %dma_start3A_172 = arith.constant 0 : i32
      %dma_start3A_173 = tpu.memref_slice %arg8[%add3A_132, %dma_start3A_172] : memref<65536x64xf32, #tpu.memory_space<hbm>> -> memref<512x64xf32, #tpu.memory_space<hbm>>
      %dma_start3A_174 = arith.constant 0 : i32
      %dma_start3A_175 = tpu.memref_slice %arg8[%add3A_132, %dma_start3A_174] : memref<65536x64xf32, #tpu.memory_space<hbm>> -> memref<512x64xf32, #tpu.memory_space<hbm>>
      tpu.enqueue_dma source(%arg13 : memref<512x64xf32, #tpu.memory_space<vmem>>) target(%dma_start3A_175 : memref<512x64xf32, #tpu.memory_space<hbm>>) target_semaphore(%run_scoped3A : memref<!tpu.dma_semaphore, #tpu.memory_space<semaphore_mem>>)
      %dma_wait3A_176 = arith.constant 0 : i32
      %dma_wait3A_177 = tpu.memref_slice %arg8[%add3A_132, %dma_wait3A_176] : memref<65536x64xf32, #tpu.memory_space<hbm>> -> memref<512x64xf32, #tpu.memory_space<hbm>>
      %dma_wait3A_178 = arith.constant 0 : i32
      %dma_wait3A_179 = tpu.memref_slice %arg8[%add3A_132, %dma_wait3A_178] : memref<65536x64xf32, #tpu.memory_space<hbm>> -> memref<512x64xf32, #tpu.memory_space<hbm>>
      tpu.wait_dma2 semaphore(%run_scoped3A : memref<!tpu.dma_semaphore, #tpu.memory_space<semaphore_mem>>) src(%arg13 : memref<512x64xf32, #tpu.memory_space<vmem>>) dst(%dma_wait3A_179 : memref<512x64xf32, #tpu.memory_space<hbm>>)
      tpu.yield
    }) : () -> ()
    %dma_start3A_133 = arith.constant 1536 : i32
    %dma_start3A_134 = tpu.memref_slice %arg11[%dma_start3A_133] : memref<2048xi32, #tpu.memory_space<vmem>> -> memref<512xi32, #tpu.memory_space<vmem>>
    %dma_start3A_135 = arith.constant 0 : i32
    %dma_start3A_136 = arith.constant 0 : i32
    %dma_start3A_137 = tpu.memref_slice %arg3[%dma_start3A_135, %dma_start3A_136] : memref<8192x16xf32, #tpu.memory_space<hbm>> -> memref<8192x16xf32, #tpu.memory_space<hbm>>
    tpu.enqueue_indirect_dma source(%dma_start3A_137 : memref<8192x16xf32, #tpu.memory_space<hbm>>) target(%arg15 : memref<512x16xf32, #tpu.memory_space<vmem>>) offsets(%dma_start3A_134 : memref<512xi32, #tpu.memory_space<vmem>>) semaphore(%arg22 : memref<!tpu.dma_semaphore, #tpu.memory_space<semaphore_mem>>)
    %dma_start3A_138 = arith.constant 1536 : i32
    %dma_start3A_139 = tpu.memref_slice %arg12[%dma_start3A_138] : memref<2048xi32, #tpu.memory_space<vmem>> -> memref<512xi32, #tpu.memory_space<vmem>>
    %dma_start3A_140 = arith.constant 0 : i32
    %dma_start3A_141 = arith.constant 0 : i32
    %dma_start3A_142 = tpu.memref_slice %arg4[%dma_start3A_140, %dma_start3A_141] : memref<2048x16xf32, #tpu.memory_space<hbm>> -> memref<2048x16xf32, #tpu.memory_space<hbm>>
    tpu.enqueue_indirect_dma source(%dma_start3A_142 : memref<2048x16xf32, #tpu.memory_space<hbm>>) target(%arg16 : memref<512x16xf32, #tpu.memory_space<vmem>>) offsets(%dma_start3A_139 : memref<512xi32, #tpu.memory_space<vmem>>) semaphore(%arg22 : memref<!tpu.dma_semaphore, #tpu.memory_space<semaphore_mem>>)
    %dma_wait3A_143 = arith.constant 1536 : i32
    %dma_wait3A_144 = tpu.memref_slice %arg11[%dma_wait3A_143] : memref<2048xi32, #tpu.memory_space<vmem>> -> memref<512xi32, #tpu.memory_space<vmem>>
    %dma_wait3A_145 = arith.constant 0 : i32
    %dma_wait3A_146 = arith.constant 0 : i32
    %dma_wait3A_147 = tpu.memref_slice %arg3[%dma_wait3A_145, %dma_wait3A_146] : memref<8192x16xf32, #tpu.memory_space<hbm>> -> memref<8192x16xf32, #tpu.memory_space<hbm>>
    tpu.wait_indirect_dma semaphore(%arg22 : memref<!tpu.dma_semaphore, #tpu.memory_space<semaphore_mem>>) src(%dma_wait3A_147 : memref<8192x16xf32, #tpu.memory_space<hbm>>) dst(%arg15 : memref<512x16xf32, #tpu.memory_space<vmem>>)
    %dma_wait3A_148 = arith.constant 1536 : i32
    %dma_wait3A_149 = tpu.memref_slice %arg12[%dma_wait3A_148] : memref<2048xi32, #tpu.memory_space<vmem>> -> memref<512xi32, #tpu.memory_space<vmem>>
    %dma_wait3A_150 = arith.constant 0 : i32
    %dma_wait3A_151 = arith.constant 0 : i32
    %dma_wait3A_152 = tpu.memref_slice %arg4[%dma_wait3A_150, %dma_wait3A_151] : memref<2048x16xf32, #tpu.memory_space<hbm>> -> memref<2048x16xf32, #tpu.memory_space<hbm>>
    tpu.wait_indirect_dma semaphore(%arg22 : memref<!tpu.dma_semaphore, #tpu.memory_space<semaphore_mem>>) src(%dma_wait3A_152 : memref<2048x16xf32, #tpu.memory_space<hbm>>) dst(%arg16 : memref<512x16xf32, #tpu.memory_space<vmem>>)
    %scan3A_153 = arith.constant 0 : i32
    %scan3A_154 = arith.constant 0 : i32
    %scan3A_155 = arith.constant 512 : i32
    %scan3A_156 = arith.addi %scan3A_154, %scan3A_155 : i32
    %scan3A_157 = arith.constant 1 : i32
    %scan3A_158 = scf.for %scan3A_172 = %scan3A_154 to %scan3A_156 step %scan3A_157 iter_args(%scan3A_173 = %scan3A_153) -> (i32)  : i32 {
      %get3A = arith.index_cast %scan3A_172 : i32 to index
      %get3A_174 = arith.constant 0 : index
      %get3A_175 = tpu.vector_load %arg15[%get3A, %get3A_174] {strides = array<i32>} : memref<512x16xf32, #tpu.memory_space<vmem>>, vector<1x16xf32>,
      %get3A_176 = vector.shape_cast %get3A_175 : vector<1x16xf32> to vector<16xf32>
      %get3A_177 = arith.index_cast %scan3A_172 : i32 to index
      %get3A_178 = arith.constant 0 : index
      %get3A_179 = tpu.vector_load %arg16[%get3A_177, %get3A_178] {strides = array<i32>} : memref<512x16xf32, #tpu.memory_space<vmem>>, vector<1x16xf32>,
      %get3A_180 = vector.shape_cast %get3A_179 : vector<1x16xf32> to vector<16xf32>
      %sub3A = arith.subf %get3A_176, %get3A_180 : vector<16xf32>
      %swap3A = arith.index_cast %scan3A_172 : i32 to index
      %swap3A_181 = arith.constant 0 : index
      %swap3A_182 = tpu.vector_load %arg17[%swap3A, %swap3A_181] {strides = array<i32>} : memref<512x16xf32, #tpu.memory_space<vmem>>, vector<1x16xf32>,
      %swap3A_183 = vector.shape_cast %swap3A_182 : vector<1x16xf32> to vector<16xf32>
      %swap3A_184 = vector.shape_cast %sub3A : vector<16xf32> to vector<1x16xf32>
      tpu.vector_store %arg17[%swap3A, %swap3A_181], %swap3A_184 {strides = array<i32>} : memref<512x16xf32, #tpu.memory_space<vmem>>, vector<1x16xf32>,
      %scan3A_185 = arith.constant 0 : i32
      scf.yield %scan3A_185 : i32
    }
    %scan3A_159 = arith.constant 512 : i32
    %add3A_160 = arith.constant 1536 : i32
    %add3A_161 = arith.addi %mul3A_2, %add3A_160 : i32
    "tpu.region"() ({
      %run_scoped3A = tpu.sem_alloc : memref<!tpu.dma_semaphore, #tpu.memory_space<semaphore_mem>>
      %dma_start3A_172 = arith.constant 0 : i32
      %dma_start3A_173 = tpu.memref_slice %arg9[%add3A_161, %dma_start3A_172] : memref<65536x16xf32, #tpu.memory_space<hbm>> -> memref<512x16xf32, #tpu.memory_space<hbm>>
      %dma_start3A_174 = arith.constant 0 : i32
      %dma_start3A_175 = tpu.memref_slice %arg9[%add3A_161, %dma_start3A_174] : memref<65536x16xf32, #tpu.memory_space<hbm>> -> memref<512x16xf32, #tpu.memory_space<hbm>>
      tpu.enqueue_dma source(%arg17 : memref<512x16xf32, #tpu.memory_space<vmem>>) target(%dma_start3A_175 : memref<512x16xf32, #tpu.memory_space<hbm>>) target_semaphore(%run_scoped3A : memref<!tpu.dma_semaphore, #tpu.memory_space<semaphore_mem>>)
      %dma_wait3A_176 = arith.constant 0 : i32
      %dma_wait3A_177 = tpu.memref_slice %arg9[%add3A_161, %dma_wait3A_176] : memref<65536x16xf32, #tpu.memory_space<hbm>> -> memref<512x16xf32, #tpu.memory_space<hbm>>
      %dma_wait3A_178 = arith.constant 0 : i32
      %dma_wait3A_179 = tpu.memref_slice %arg9[%add3A_161, %dma_wait3A_178] : memref<65536x16xf32, #tpu.memory_space<hbm>> -> memref<512x16xf32, #tpu.memory_space<hbm>>
      tpu.wait_dma2 semaphore(%run_scoped3A : memref<!tpu.dma_semaphore, #tpu.memory_space<semaphore_mem>>) src(%arg17 : memref<512x16xf32, #tpu.memory_space<vmem>>) dst(%dma_wait3A_179 : memref<512x16xf32, #tpu.memory_space<hbm>>)
      tpu.yield
    }) : () -> ()
    %dma_wait3A_162 = arith.constant 1536 : i32
    %dma_wait3A_163 = tpu.memref_slice %arg11[%dma_wait3A_162] : memref<2048xi32, #tpu.memory_space<vmem>> -> memref<512xi32, #tpu.memory_space<vmem>>
    %dma_wait3A_164 = arith.constant 0 : i32
    %dma_wait3A_165 = arith.constant 0 : i32
    %dma_wait3A_166 = tpu.memref_slice %arg2[%dma_wait3A_164, %dma_wait3A_165] : memref<8192x64xf32, #tpu.memory_space<hbm>> -> memref<8192x64xf32, #tpu.memory_space<hbm>>
    tpu.wait_indirect_dma semaphore(%arg21 : memref<!tpu.dma_semaphore, #tpu.memory_space<semaphore_mem>>) src(%dma_wait3A_166 : memref<8192x64xf32, #tpu.memory_space<hbm>>) dst(%arg14 : memref<512x64xf32, #tpu.memory_space<vmem>>)
    %add3A_167 = arith.constant 1536 : i32
    %add3A_168 = arith.addi %mul3A_2, %add3A_167 : i32
    "tpu.region"() ({
      %run_scoped3A = tpu.sem_alloc : memref<!tpu.dma_semaphore, #tpu.memory_space<semaphore_mem>>
      %dma_start3A_172 = arith.constant 0 : i32
      %dma_start3A_173 = tpu.memref_slice %arg8[%add3A_168, %dma_start3A_172] : memref<65536x64xf32, #tpu.memory_space<hbm>> -> memref<512x64xf32, #tpu.memory_space<hbm>>
      %dma_start3A_174 = arith.constant 0 : i32
      %dma_start3A_175 = tpu.memref_slice %arg8[%add3A_168, %dma_start3A_174] : memref<65536x64xf32, #tpu.memory_space<hbm>> -> memref<512x64xf32, #tpu.memory_space<hbm>>
      tpu.enqueue_dma source(%arg14 : memref<512x64xf32, #tpu.memory_space<vmem>>) target(%dma_start3A_175 : memref<512x64xf32, #tpu.memory_space<hbm>>) target_semaphore(%run_scoped3A : memref<!tpu.dma_semaphore, #tpu.memory_space<semaphore_mem>>)
      %dma_wait3A_176 = arith.constant 0 : i32
      %dma_wait3A_177 = tpu.memref_slice %arg8[%add3A_168, %dma_wait3A_176] : memref<65536x64xf32, #tpu.memory_space<hbm>> -> memref<512x64xf32, #tpu.memory_space<hbm>>
      %dma_wait3A_178 = arith.constant 0 : i32
      %dma_wait3A_179 = tpu.memref_slice %arg8[%add3A_168, %dma_wait3A_178] : memref<65536x64xf32, #tpu.memory_space<hbm>> -> memref<512x64xf32, #tpu.memory_space<hbm>>
      tpu.wait_dma2 semaphore(%run_scoped3A : memref<!tpu.dma_semaphore, #tpu.memory_space<semaphore_mem>>) src(%arg14 : memref<512x64xf32, #tpu.memory_space<vmem>>) dst(%dma_wait3A_179 : memref<512x64xf32, #tpu.memory_space<hbm>>)
      tpu.yield
    }) : () -> ()
    %dma_wait3A_169 = arith.constant 0 : i32
    %dma_wait3A_170 = arith.constant 0 : i32
    %dma_wait3A_171 = tpu.memref_slice %arg3[%dma_wait3A_169, %dma_wait3A_170] : memref<8192x16xf32, #tpu.memory_space<hbm>> -> memref<8192x16xf32, #tpu.memory_space<hbm>>
    tpu.wait_indirect_dma semaphore(%arg23 : memref<!tpu.dma_semaphore, #tpu.memory_space<semaphore_mem>>) src(%dma_wait3A_171 : memref<8192x16xf32, #tpu.memory_space<hbm>>) dst(%arg19 : memref<64x16xf32, #tpu.memory_space<vmem>>)
    "tpu.region"() ({
      %run_scoped3A = tpu.sem_alloc : memref<!tpu.dma_semaphore, #tpu.memory_space<semaphore_mem>>
      %dma_start3A_172 = arith.constant 0 : i32
      %dma_start3A_173 = tpu.memref_slice %arg10[%mul3A_4, %dma_start3A_172] : memref<2048x16xf32, #tpu.memory_space<hbm>> -> memref<64x16xf32, #tpu.memory_space<hbm>>
      %dma_start3A_174 = arith.constant 0 : i32
      %dma_start3A_175 = tpu.memref_slice %arg10[%mul3A_4, %dma_start3A_174] : memref<2048x16xf32, #tpu.memory_space<hbm>> -> memref<64x16xf32, #tpu.memory_space<hbm>>
      tpu.enqueue_dma source(%arg19 : memref<64x16xf32, #tpu.memory_space<vmem>>) target(%dma_start3A_175 : memref<64x16xf32, #tpu.memory_space<hbm>>) target_semaphore(%run_scoped3A : memref<!tpu.dma_semaphore, #tpu.memory_space<semaphore_mem>>)
      %dma_wait3A_176 = arith.constant 0 : i32
      %dma_wait3A_177 = tpu.memref_slice %arg10[%mul3A_4, %dma_wait3A_176] : memref<2048x16xf32, #tpu.memory_space<hbm>> -> memref<64x16xf32, #tpu.memory_space<hbm>>
      %dma_wait3A_178 = arith.constant 0 : i32
      %dma_wait3A_179 = tpu.memref_slice %arg10[%mul3A_4, %dma_wait3A_178] : memref<2048x16xf32, #tpu.memory_space<hbm>> -> memref<64x16xf32, #tpu.memory_space<hbm>>
      tpu.wait_dma2 semaphore(%run_scoped3A : memref<!tpu.dma_semaphore, #tpu.memory_space<semaphore_mem>>) src(%arg19 : memref<64x16xf32, #tpu.memory_space<vmem>>) dst(%dma_wait3A_179 : memref<64x16xf32, #tpu.memory_space<hbm>>)
      tpu.yield
    }) : () -> ()
    return
  }
}

module attributes {stable_mosaic.version = 14 : i64} {
  func.func @_fps_body(%arg0: memref<3x4x2048xf32, #tpu.memory_space<vmem>>, %arg1: memref<4x512xi32, #tpu.memory_space<vmem>>, %arg2: memref<3x4x512xf32, #tpu.memory_space<vmem>>, %arg3: memref<4x2048xf32, #tpu.memory_space<vmem>>) attributes {dimension_semantics = [], scalar_prefetch = 0 : i64, scratch_operands = 1 : i64, tpu.core_type = #tpu.core_type<tc>} {
    %get3A = arith.constant 0 : index
    %get3A_0 = arith.constant 0 : index
    %get3A_1 = arith.constant 0 : index
    %get3A_2 = vector.load %arg0[%get3A, %get3A_0, %get3A_1] : memref<3x4x2048xf32, #tpu.memory_space<vmem>>, vector<3x4x2048xf32>
    %broadcast_in_dim3A = arith.constant 0x7F800000 : f32
    %broadcast_in_dim3A_3 = vector.broadcast %broadcast_in_dim3A : f32 to vector<4x2048xf32>
    %swap3A = arith.constant 0 : index
    %swap3A_4 = arith.constant 0 : index
    %swap3A_5 = vector.load %arg3[%swap3A, %swap3A_4] : memref<4x2048xf32, #tpu.memory_space<vmem>>, vector<4x2048xf32>
    tpu.vector_store %arg3[%swap3A, %swap3A_4], %broadcast_in_dim3A_3 {strides = array<i32>} : memref<4x2048xf32, #tpu.memory_space<vmem>>, vector<4x2048xf32>,
    %iota3A = tpu.iota {dimensions = array<i32: 1>} : vector<4x2048xi32>
    %iota3A_6 = tpu.iota {dimensions = array<i32: 1>} : vector<4x512xi32>
    %iota3A_7 = tpu.iota {dimensions = array<i32: 0>} : vector<4x1xi32>
    %mul3A = arith.constant 2048 : i32
    %mul3A_8 = vector.broadcast %mul3A : i32 to vector<4x1xi32>
    %mul3A_9 = arith.muli %iota3A_7, %mul3A_8 : vector<4x1xi32>
    %broadcast_in_dim3A_10 = arith.constant 0 : i32
    %broadcast_in_dim3A_11 = vector.broadcast %broadcast_in_dim3A_10 : i32 to vector<4x1xi32>
    %broadcast_in_dim3A_12 = arith.constant 0 : i32
    %broadcast_in_dim3A_13 = vector.broadcast %broadcast_in_dim3A_12 : i32 to vector<4x512xi32>
    %broadcast_in_dim3A_14 = arith.constant 0.000000e+00 : f32
    %broadcast_in_dim3A_15 = vector.broadcast %broadcast_in_dim3A_14 : f32 to vector<3x4x512xf32>
    %scan3A = arith.constant 0 : i32
    %scan3A_16 = arith.constant 512 : i32
    %scan3A_17 = arith.addi %scan3A, %scan3A_16 : i32
    %scan3A_18 = arith.constant 1 : i32
    %scan3A_19:3 = scf.for %scan3A_28 = %scan3A to %scan3A_17 step %scan3A_18 iter_args(%scan3A_29 = %broadcast_in_dim3A_11, %scan3A_30 = %broadcast_in_dim3A_13, %scan3A_31 = %broadcast_in_dim3A_15) -> (vector<4x1xi32>, vector<4x512xi32>, vector<3x4x512xf32>)  : i32 {
      %eq3A = vector.broadcast %scan3A_29 : vector<4x1xi32> to vector<4x2048xi32>
      %eq3A_32 = arith.cmpi eq, %iota3A, %eq3A : vector<4x2048xi32>
      %convert_element_type3A = arith.extui %eq3A_32 : vector<4x2048xi1> to vector<4x2048xi32>
      %convert_element_type3A_33 = arith.sitofp %convert_element_type3A : vector<4x2048xi32> to vector<4x2048xf32>
      %broadcast_in_dim3A_34 = vector.shape_cast %convert_element_type3A_33 : vector<4x2048xf32> to vector<1x4x2048xf32>
      %mul3A_35 = vector.broadcast %broadcast_in_dim3A_34 : vector<1x4x2048xf32> to vector<3x4x2048xf32>
      %mul3A_36 = arith.mulf %get3A_2, %mul3A_35 : vector<3x4x2048xf32>
      %reduce_sum3A = arith.constant dense<0.000000e+00> : vector<3x4xf32>
      %reduce_sum3A_37 = vector.multi_reduction <add>, %mul3A_36, %reduce_sum3A [2] : vector<3x4x2048xf32> to vector<3x4xf32>
      %broadcast_in_dim3A_38 = vector.shape_cast %reduce_sum3A_37 : vector<3x4xf32> to vector<3x4x1xf32>
      %slice3A = vector.extract_strided_slice %get3A_2 {offsets = [0, 0, 0], sizes = [1, 4, 2048], strides = [1, 1, 1]} : vector<3x4x2048xf32> to vector<1x4x2048xf32>
      %squeeze3A = vector.shape_cast %slice3A : vector<1x4x2048xf32> to vector<4x2048xf32>
      %slice3A_39 = vector.extract_strided_slice %broadcast_in_dim3A_38 {offsets = [0, 0, 0], sizes = [1, 4, 1], strides = [1, 1, 1]} : vector<3x4x1xf32> to vector<1x4x1xf32>
      %squeeze3A_40 = vector.shape_cast %slice3A_39 : vector<1x4x1xf32> to vector<4x1xf32>
      %sub3A = vector.broadcast %squeeze3A_40 : vector<4x1xf32> to vector<4x2048xf32>
      %sub3A_41 = arith.subf %squeeze3A, %sub3A : vector<4x2048xf32>
      %integer_pow3A = arith.mulf %sub3A_41, %sub3A_41 : vector<4x2048xf32>
      %slice3A_42 = vector.extract_strided_slice %get3A_2 {offsets = [2, 0, 0], sizes = [1, 4, 2048], strides = [1, 1, 1]} : vector<3x4x2048xf32> to vector<1x4x2048xf32>
      %squeeze3A_43 = vector.shape_cast %slice3A_42 : vector<1x4x2048xf32> to vector<4x2048xf32>
      %slice3A_44 = vector.extract_strided_slice %broadcast_in_dim3A_38 {offsets = [2, 0, 0], sizes = [1, 4, 1], strides = [1, 1, 1]} : vector<3x4x1xf32> to vector<1x4x1xf32>
      %squeeze3A_45 = vector.shape_cast %slice3A_44 : vector<1x4x1xf32> to vector<4x1xf32>
      %sub3A_46 = vector.broadcast %squeeze3A_45 : vector<4x1xf32> to vector<4x2048xf32>
      %sub3A_47 = arith.subf %squeeze3A_43, %sub3A_46 : vector<4x2048xf32>
      %integer_pow3A_48 = arith.mulf %sub3A_47, %sub3A_47 : vector<4x2048xf32>
      %add3A = arith.addf %integer_pow3A, %integer_pow3A_48 : vector<4x2048xf32>
      %slice3A_49 = vector.extract_strided_slice %get3A_2 {offsets = [1, 0, 0], sizes = [1, 4, 2048], strides = [1, 1, 1]} : vector<3x4x2048xf32> to vector<1x4x2048xf32>
      %squeeze3A_50 = vector.shape_cast %slice3A_49 : vector<1x4x2048xf32> to vector<4x2048xf32>
      %slice3A_51 = vector.extract_strided_slice %broadcast_in_dim3A_38 {offsets = [1, 0, 0], sizes = [1, 4, 1], strides = [1, 1, 1]} : vector<3x4x1xf32> to vector<1x4x1xf32>
      %squeeze3A_52 = vector.shape_cast %slice3A_51 : vector<1x4x1xf32> to vector<4x1xf32>
      %sub3A_53 = vector.broadcast %squeeze3A_52 : vector<4x1xf32> to vector<4x2048xf32>
      %sub3A_54 = arith.subf %squeeze3A_50, %sub3A_53 : vector<4x2048xf32>
      %integer_pow3A_55 = arith.mulf %sub3A_54, %sub3A_54 : vector<4x2048xf32>
      %add3A_56 = arith.addf %add3A, %integer_pow3A_55 : vector<4x2048xf32>
      %get3A_57 = arith.constant 0 : index
      %get3A_58 = arith.constant 0 : index
      %get3A_59 = vector.load %arg3[%get3A_57, %get3A_58] : memref<4x2048xf32, #tpu.memory_space<vmem>>, vector<4x2048xf32>
      %min3A = arith.minimumf %get3A_59, %add3A_56 : vector<4x2048xf32>
      %swap3A_60 = arith.constant 0 : index
      %swap3A_61 = arith.constant 0 : index
      %swap3A_62 = vector.load %arg3[%swap3A_60, %swap3A_61] : memref<4x2048xf32, #tpu.memory_space<vmem>>, vector<4x2048xf32>
      tpu.vector_store %arg3[%swap3A_60, %swap3A_61], %min3A {strides = array<i32>} : memref<4x2048xf32, #tpu.memory_space<vmem>>, vector<4x2048xf32>,
      %reduce_max3A = arith.constant dense<0xFF800000> : vector<4xf32>
      %reduce_max3A_63 = vector.multi_reduction <maximumf>, %min3A, %reduce_max3A [1] : vector<4x2048xf32> to vector<4xf32>
      %broadcast_in_dim3A_64 = vector.shape_cast %reduce_max3A_63 : vector<4xf32> to vector<4x1xf32>
      %eq3A_65 = vector.broadcast %broadcast_in_dim3A_64 : vector<4x1xf32> to vector<4x2048xf32>
      %eq3A_66 = arith.cmpf oeq, %min3A, %eq3A_65 : vector<4x2048xf32>
      %jit3A = arith.constant 2048 : i32
      %broadcast_in_dim3A_67 = vector.broadcast %jit3A : i32 to vector<4x2048xi32>
      %select_n3A = arith.select %eq3A_66, %iota3A, %broadcast_in_dim3A_67 : vector<4x2048xi1>, vector<4x2048xi32>
      %reduce_min3A = arith.constant dense<2147483647> : vector<4xi32>
      %reduce_min3A_68 = vector.multi_reduction <minsi>, %select_n3A, %reduce_min3A [1] : vector<4x2048xi32> to vector<4xi32>
      %broadcast_in_dim3A_69 = vector.shape_cast %reduce_min3A_68 : vector<4xi32> to vector<4x1xi32>
      %eq3A_70 = vector.broadcast %scan3A_28 : i32 to vector<4x512xi32>
      %eq3A_71 = arith.cmpi eq, %iota3A_6, %eq3A_70 : vector<4x512xi32>
      %add3A_72 = arith.addi %scan3A_29, %mul3A_9 : vector<4x1xi32>
      %broadcast_in_dim3A_73 = vector.shape_cast %add3A_72 : vector<4x1xi32> to vector<4x1xi32>
      %broadcast_in_dim3A_74 = vector.broadcast %broadcast_in_dim3A_73 : vector<4x1xi32> to vector<4x512xi32>
      %select_n3A_75 = arith.select %eq3A_71, %broadcast_in_dim3A_74, %scan3A_30 : vector<4x512xi1>, vector<4x512xi32>
      %broadcast_in_dim3A_76 = vector.shape_cast %eq3A_71 : vector<4x512xi1> to vector<1x4x512xi1>
      %broadcast_in_dim3A_77 = vector.shape_cast %broadcast_in_dim3A_76 : vector<1x4x512xi1> to vector<1x4x512xi1>
      %broadcast_in_dim3A_78 = vector.broadcast %broadcast_in_dim3A_77 : vector<1x4x512xi1> to vector<3x4x512xi1>
      %broadcast_in_dim3A_79 = vector.shape_cast %broadcast_in_dim3A_38 : vector<3x4x1xf32> to vector<3x4x1xf32>
      %broadcast_in_dim3A_80 = vector.broadcast %broadcast_in_dim3A_79 : vector<3x4x1xf32> to vector<3x4x512xf32>
      %select_n3A_81 = arith.select %broadcast_in_dim3A_78, %broadcast_in_dim3A_80, %scan3A_31 : vector<3x4x512xi1>, vector<3x4x512xf32>
      scf.yield %broadcast_in_dim3A_69, %select_n3A_75, %select_n3A_81 : vector<4x1xi32>, vector<4x512xi32>, vector<3x4x512xf32>
    }
    %scan3A_20 = arith.constant 512 : i32
    %swap3A_21 = arith.constant 0 : index
    %swap3A_22 = arith.constant 0 : index
    %swap3A_23 = vector.load %arg1[%swap3A_21, %swap3A_22] : memref<4x512xi32, #tpu.memory_space<vmem>>, vector<4x512xi32>
    tpu.vector_store %arg1[%swap3A_21, %swap3A_22], %scan3A_19#1 {strides = array<i32>} : memref<4x512xi32, #tpu.memory_space<vmem>>, vector<4x512xi32>,
    %swap3A_24 = arith.constant 0 : index
    %swap3A_25 = arith.constant 0 : index
    %swap3A_26 = arith.constant 0 : index
    %swap3A_27 = vector.load %arg2[%swap3A_24, %swap3A_25, %swap3A_26] : memref<3x4x512xf32, #tpu.memory_space<vmem>>, vector<3x4x512xf32>
    tpu.vector_store %arg2[%swap3A_24, %swap3A_25, %swap3A_26], %scan3A_19#2 {strides = array<i32>} : memref<3x4x512xf32, #tpu.memory_space<vmem>>, vector<3x4x512xf32>,
    return
  }
}

module attributes {stable_mosaic.version = 14 : i64} {
  func.func @_sel_body(%arg0: i32, %arg1: memref<1x1x2048xf32, #tpu.memory_space<vmem>>, %arg2: memref<1x1x2048xf32, #tpu.memory_space<vmem>>, %arg3: memref<1x1x2048xf32, #tpu.memory_space<vmem>>, %arg4: memref<1x512x1xf32, #tpu.memory_space<vmem>>, %arg5: memref<1x512x1xf32, #tpu.memory_space<vmem>>, %arg6: memref<1x512x1xf32, #tpu.memory_space<vmem>>, %arg7: memref<1x512x32xi32, #tpu.memory_space<vmem>>, %arg8: memref<1x512x32xi32, #tpu.memory_space<vmem>>, %arg9: memref<512x2048xf32, #tpu.memory_space<vmem>>) attributes {dimension_semantics = [#tpu.dimension_semantics<arbitrary>], iteration_bounds = array<i64: 4>, scalar_prefetch = 0 : i64, scratch_operands = 1 : i64, tpu.core_type = #tpu.core_type<tc>, window_params = [{transform_indices = @transform_0, window_bounds = array<i64: 1, 1, 2048>}, {transform_indices = @transform_1, window_bounds = array<i64: 1, 1, 2048>}, {transform_indices = @transform_2, window_bounds = array<i64: 1, 1, 2048>}, {transform_indices = @transform_3, window_bounds = array<i64: 1, 512, 1>}, {transform_indices = @transform_4, window_bounds = array<i64: 1, 512, 1>}, {transform_indices = @transform_5, window_bounds = array<i64: 1, 512, 1>}, {transform_indices = @transform_6, window_bounds = array<i64: 1, 512, 32>}, {transform_indices = @transform_7, window_bounds = array<i64: 1, 512, 32>}]} {
    %get3A = arith.constant 0 : index
    %get3A_0 = arith.constant 0 : index
    %get3A_1 = arith.constant 0 : index
    %get3A_2 = vector.load %arg1[%get3A, %get3A_0, %get3A_1] : memref<1x1x2048xf32, #tpu.memory_space<vmem>>, vector<1x1x2048xf32>
    %get3A_3 = vector.shape_cast %get3A_2 : vector<1x1x2048xf32> to vector<2048xf32>
    %broadcast_in_dim3A = vector.shape_cast %get3A_3 : vector<2048xf32> to vector<1x2048xf32>
    %get3A_4 = arith.constant 0 : index
    %get3A_5 = arith.constant 0 : index
    %get3A_6 = arith.constant 0 : index
    %get3A_7 = vector.load %arg2[%get3A_4, %get3A_5, %get3A_6] : memref<1x1x2048xf32, #tpu.memory_space<vmem>>, vector<1x1x2048xf32>
    %get3A_8 = vector.shape_cast %get3A_7 : vector<1x1x2048xf32> to vector<2048xf32>
    %broadcast_in_dim3A_9 = vector.shape_cast %get3A_8 : vector<2048xf32> to vector<1x2048xf32>
    %get3A_10 = arith.constant 0 : index
    %get3A_11 = arith.constant 0 : index
    %get3A_12 = arith.constant 0 : index
    %get3A_13 = vector.load %arg3[%get3A_10, %get3A_11, %get3A_12] : memref<1x1x2048xf32, #tpu.memory_space<vmem>>, vector<1x1x2048xf32>
    %get3A_14 = vector.shape_cast %get3A_13 : vector<1x1x2048xf32> to vector<2048xf32>
    %broadcast_in_dim3A_15 = vector.shape_cast %get3A_14 : vector<2048xf32> to vector<1x2048xf32>
    %get3A_16 = arith.constant 0 : index
    %get3A_17 = arith.constant 0 : index
    %get3A_18 = arith.constant 0 : index
    %get3A_19 = vector.load %arg4[%get3A_16, %get3A_17, %get3A_18] : memref<1x512x1xf32, #tpu.memory_space<vmem>>, vector<1x512x1xf32>
    %get3A_20 = vector.shape_cast %get3A_19 : vector<1x512x1xf32> to vector<512x1xf32>
    %get3A_21 = arith.constant 0 : index
    %get3A_22 = arith.constant 0 : index
    %get3A_23 = arith.constant 0 : index
    %get3A_24 = vector.load %arg5[%get3A_21, %get3A_22, %get3A_23] : memref<1x512x1xf32, #tpu.memory_space<vmem>>, vector<1x512x1xf32>
    %get3A_25 = vector.shape_cast %get3A_24 : vector<1x512x1xf32> to vector<512x1xf32>
    %get3A_26 = arith.constant 0 : index
    %get3A_27 = arith.constant 0 : index
    %get3A_28 = arith.constant 0 : index
    %get3A_29 = vector.load %arg6[%get3A_26, %get3A_27, %get3A_28] : memref<1x512x1xf32, #tpu.memory_space<vmem>>, vector<1x512x1xf32>
    %get3A_30 = vector.shape_cast %get3A_29 : vector<1x512x1xf32> to vector<512x1xf32>
    %sub3A = vector.broadcast %get3A_20 : vector<512x1xf32> to vector<512x2048xf32>
    %sub3A_31 = vector.broadcast %broadcast_in_dim3A : vector<1x2048xf32> to vector<512x2048xf32>
    %sub3A_32 = arith.subf %sub3A, %sub3A_31 : vector<512x2048xf32>
    %integer_pow3A = arith.mulf %sub3A_32, %sub3A_32 : vector<512x2048xf32>
    %sub3A_33 = vector.broadcast %get3A_30 : vector<512x1xf32> to vector<512x2048xf32>
    %sub3A_34 = vector.broadcast %broadcast_in_dim3A_15 : vector<1x2048xf32> to vector<512x2048xf32>
    %sub3A_35 = arith.subf %sub3A_33, %sub3A_34 : vector<512x2048xf32>
    %integer_pow3A_36 = arith.mulf %sub3A_35, %sub3A_35 : vector<512x2048xf32>
    %add3A = arith.addf %integer_pow3A, %integer_pow3A_36 : vector<512x2048xf32>
    %sub3A_37 = vector.broadcast %get3A_25 : vector<512x1xf32> to vector<512x2048xf32>
    %sub3A_38 = vector.broadcast %broadcast_in_dim3A_9 : vector<1x2048xf32> to vector<512x2048xf32>
    %sub3A_39 = arith.subf %sub3A_37, %sub3A_38 : vector<512x2048xf32>
    %integer_pow3A_40 = arith.mulf %sub3A_39, %sub3A_39 : vector<512x2048xf32>
    %add3A_41 = arith.addf %add3A, %integer_pow3A_40 : vector<512x2048xf32>
    %le3A = arith.constant 4.000000e-02 : f32
    %le3A_42 = vector.broadcast %le3A : f32 to vector<512x2048xf32>
    %le3A_43 = arith.cmpf ole, %add3A_41, %le3A_42 : vector<512x2048xf32>
    %jit3A = arith.constant 0x7F800000 : f32
    %broadcast_in_dim3A_44 = vector.broadcast %jit3A : f32 to vector<512x2048xf32>
    %select_n3A = arith.select %le3A_43, %add3A_41, %broadcast_in_dim3A_44 : vector<512x2048xi1>, vector<512x2048xf32>
    %swap3A = arith.constant 0 : index
    %swap3A_45 = arith.constant 0 : index
    %swap3A_46 = vector.load %arg9[%swap3A, %swap3A_45] : memref<512x2048xf32, #tpu.memory_space<vmem>>, vector<512x2048xf32>
    tpu.vector_store %arg9[%swap3A, %swap3A_45], %select_n3A {strides = array<i32>} : memref<512x2048xf32, #tpu.memory_space<vmem>>, vector<512x2048xf32>,
    %iota3A = tpu.iota {dimensions = array<i32: 1>} : vector<512x2048xi32>
    %iota3A_47 = tpu.iota {dimensions = array<i32: 1>} : vector<512x32xi32>
    %broadcast_in_dim3A_48 = arith.constant 0 : i32
    %broadcast_in_dim3A_49 = vector.broadcast %broadcast_in_dim3A_48 : i32 to vector<512x32xi32>
    %scan3A = arith.constant 0 : i32
    %scan3A_50 = arith.constant 32 : i32
    %scan3A_51 = arith.addi %scan3A, %scan3A_50 : i32
    %scan3A_52 = arith.constant 1 : i32
    %scan3A_53:2 = scf.for %scan3A_67 = %scan3A to %scan3A_51 step %scan3A_52 iter_args(%scan3A_68 = %broadcast_in_dim3A_49, %scan3A_69 = %broadcast_in_dim3A_49) -> (vector<512x32xi32>, vector<512x32xi32>)  : i32 {
      %get3A_70 = arith.constant 0 : index
      %get3A_71 = arith.constant 0 : index
      %get3A_72 = vector.load %arg9[%get3A_70, %get3A_71] : memref<512x2048xf32, #tpu.memory_space<vmem>>, vector<512x2048xf32>
      %reduce_min3A = arith.constant dense<0x7F800000> : vector<512xf32>
      %reduce_min3A_73 = vector.multi_reduction <minimumf>, %get3A_72, %reduce_min3A [1] : vector<512x2048xf32> to vector<512xf32>
      %broadcast_in_dim3A_74 = vector.shape_cast %reduce_min3A_73 : vector<512xf32> to vector<512x1xf32>
      %eq3A = vector.broadcast %broadcast_in_dim3A_74 : vector<512x1xf32> to vector<512x2048xf32>
      %eq3A_75 = arith.cmpf oeq, %get3A_72, %eq3A : vector<512x2048xf32>
      %jit3A_76 = arith.constant 2048 : i32
      %broadcast_in_dim3A_77 = vector.broadcast %jit3A_76 : i32 to vector<512x2048xi32>
      %select_n3A_78 = arith.select %eq3A_75, %iota3A, %broadcast_in_dim3A_77 : vector<512x2048xi1>, vector<512x2048xi32>
      %reduce_min3A_79 = arith.constant dense<2147483647> : vector<512xi32>
      %reduce_min3A_80 = vector.multi_reduction <minsi>, %select_n3A_78, %reduce_min3A_79 [1] : vector<512x2048xi32> to vector<512xi32>
      %broadcast_in_dim3A_81 = vector.shape_cast %reduce_min3A_80 : vector<512xi32> to vector<512x1xi32>
      %eq3A_82 = vector.broadcast %broadcast_in_dim3A_81 : vector<512x1xi32> to vector<512x2048xi32>
      %eq3A_83 = arith.cmpi eq, %iota3A, %eq3A_82 : vector<512x2048xi32>
      %jit3A_84 = arith.constant 0x7F800000 : f32
      %broadcast_in_dim3A_85 = vector.broadcast %jit3A_84 : f32 to vector<512x2048xf32>
      %select_n3A_86 = arith.select %eq3A_83, %broadcast_in_dim3A_85, %get3A_72 : vector<512x2048xi1>, vector<512x2048xf32>
      %swap3A_87 = arith.constant 0 : index
      %swap3A_88 = arith.constant 0 : index
      %swap3A_89 = vector.load %arg9[%swap3A_87, %swap3A_88] : memref<512x2048xf32, #tpu.memory_space<vmem>>, vector<512x2048xf32>
      tpu.vector_store %arg9[%swap3A_87, %swap3A_88], %select_n3A_86 {strides = array<i32>} : memref<512x2048xf32, #tpu.memory_space<vmem>>, vector<512x2048xf32>,
      %eq3A_90 = vector.broadcast %scan3A_67 : i32 to vector<512x32xi32>
      %eq3A_91 = arith.cmpi eq, %iota3A_47, %eq3A_90 : vector<512x32xi32>
      %mul3A = arith.constant 2048 : i32
      %mul3A_92 = arith.muli %arg0, %mul3A : i32
      %add3A_93 = vector.broadcast %mul3A_92 : i32 to vector<512x1xi32>
      %add3A_94 = arith.addi %broadcast_in_dim3A_81, %add3A_93 : vector<512x1xi32>
      %broadcast_in_dim3A_95 = vector.shape_cast %add3A_94 : vector<512x1xi32> to vector<512x1xi32>
      %broadcast_in_dim3A_96 = vector.broadcast %broadcast_in_dim3A_95 : vector<512x1xi32> to vector<512x32xi32>
      %select_n3A_97 = arith.select %eq3A_91, %broadcast_in_dim3A_96, %scan3A_68 : vector<512x32xi1>, vector<512x32xi32>
      %le3A_98 = arith.constant 4.000000e-02 : f32
      %le3A_99 = vector.broadcast %le3A_98 : f32 to vector<512x1xf32>
      %le3A_100 = arith.cmpf ole, %broadcast_in_dim3A_74, %le3A_99 : vector<512x1xf32>
      %convert_element_type3A = arith.extui %le3A_100 : vector<512x1xi1> to vector<512x1xi32>
      %broadcast_in_dim3A_101 = vector.shape_cast %convert_element_type3A : vector<512x1xi32> to vector<512x1xi32>
      %broadcast_in_dim3A_102 = vector.broadcast %broadcast_in_dim3A_101 : vector<512x1xi32> to vector<512x32xi32>
      %select_n3A_103 = arith.select %eq3A_91, %broadcast_in_dim3A_102, %scan3A_69 : vector<512x32xi1>, vector<512x32xi32>
      scf.yield %select_n3A_97, %select_n3A_103 : vector<512x32xi32>, vector<512x32xi32>
    }
    %scan3A_54 = arith.constant 32 : i32
    %swap3A_55 = arith.constant 0 : index
    %swap3A_56 = arith.constant 0 : index
    %swap3A_57 = arith.constant 0 : index
    %swap3A_58 = vector.load %arg7[%swap3A_55, %swap3A_56, %swap3A_57] : memref<1x512x32xi32, #tpu.memory_space<vmem>>, vector<1x512x32xi32>
    %swap3A_59 = vector.shape_cast %swap3A_58 : vector<1x512x32xi32> to vector<512x32xi32>
    %swap3A_60 = vector.shape_cast %scan3A_53#0 : vector<512x32xi32> to vector<1x512x32xi32>
    tpu.vector_store %arg7[%swap3A_55, %swap3A_56, %swap3A_57], %swap3A_60 {strides = array<i32>} : memref<1x512x32xi32, #tpu.memory_space<vmem>>, vector<1x512x32xi32>,
    %swap3A_61 = arith.constant 0 : index
    %swap3A_62 = arith.constant 0 : index
    %swap3A_63 = arith.constant 0 : index
    %swap3A_64 = vector.load %arg8[%swap3A_61, %swap3A_62, %swap3A_63] : memref<1x512x32xi32, #tpu.memory_space<vmem>>, vector<1x512x32xi32>
    %swap3A_65 = vector.shape_cast %swap3A_64 : vector<1x512x32xi32> to vector<512x32xi32>
    %swap3A_66 = vector.shape_cast %scan3A_53#1 : vector<512x32xi32> to vector<1x512x32xi32>
    tpu.vector_store %arg8[%swap3A_61, %swap3A_62, %swap3A_63], %swap3A_66 {strides = array<i32>} : memref<1x512x32xi32, #tpu.memory_space<vmem>>, vector<1x512x32xi32>,
    return
  }
  func.func @transform_0(%arg0: i32) -> (i32, i32, i32) {
    %c0_i32 = arith.constant 0 : i32
    %c0_i32_0 = arith.constant 0 : i32
    %c0_i32_1 = arith.constant 0 : i32
    return %arg0, %c0_i32, %c0_i32_0 : i32, i32, i32
  }
  func.func @transform_1(%arg0: i32) -> (i32, i32, i32) {
    %c0_i32 = arith.constant 0 : i32
    %c0_i32_0 = arith.constant 0 : i32
    %c0_i32_1 = arith.constant 0 : i32
    return %arg0, %c0_i32, %c0_i32_0 : i32, i32, i32
  }
  func.func @transform_2(%arg0: i32) -> (i32, i32, i32) {
    %c0_i32 = arith.constant 0 : i32
    %c0_i32_0 = arith.constant 0 : i32
    %c0_i32_1 = arith.constant 0 : i32
    return %arg0, %c0_i32, %c0_i32_0 : i32, i32, i32
  }
  func.func @transform_3(%arg0: i32) -> (i32, i32, i32) {
    %c0_i32 = arith.constant 0 : i32
    %c0_i32_0 = arith.constant 0 : i32
    %c0_i32_1 = arith.constant 0 : i32
    return %arg0, %c0_i32, %c0_i32_0 : i32, i32, i32
  }
  func.func @transform_4(%arg0: i32) -> (i32, i32, i32) {
    %c0_i32 = arith.constant 0 : i32
    %c0_i32_0 = arith.constant 0 : i32
    %c0_i32_1 = arith.constant 0 : i32
    return %arg0, %c0_i32, %c0_i32_0 : i32, i32, i32
  }
  func.func @transform_5(%arg0: i32) -> (i32, i32, i32) {
    %c0_i32 = arith.constant 0 : i32
    %c0_i32_0 = arith.constant 0 : i32
    %c0_i32_1 = arith.constant 0 : i32
    return %arg0, %c0_i32, %c0_i32_0 : i32, i32, i32
  }
  func.func @transform_6(%arg0: i32) -> (i32, i32, i32) {
    %c0_i32 = arith.constant 0 : i32
    %c0_i32_0 = arith.constant 0 : i32
    %c0_i32_1 = arith.constant 0 : i32
    return %arg0, %c0_i32, %c0_i32_0 : i32, i32, i32
  }
  func.func @transform_7(%arg0: i32) -> (i32, i32, i32) {
    %c0_i32 = arith.constant 0 : i32
    %c0_i32_0 = arith.constant 0 : i32
    %c0_i32_1 = arith.constant 0 : i32
    return %arg0, %c0_i32, %c0_i32_0 : i32, i32, i32
  }
}

module attributes {stable_mosaic.version = 14 : i64} {
  func.func @_mlp_body(%arg0: i32, %arg1: memref<8192x64xf32, #tpu.memory_space<vmem>>, %arg2: memref<8192x16xf32, #tpu.memory_space<vmem>>, %arg3: memref<8192x1xf32, #tpu.memory_space<vmem>>, %arg4: memref<64x128xf32, #tpu.memory_space<vmem>>, %arg5: memref<16x128xf32, #tpu.memory_space<vmem>>, %arg6: memref<1x128xf32, #tpu.memory_space<vmem>>, %arg7: memref<128x256xf32, #tpu.memory_space<vmem>>, %arg8: memref<1x256xf32, #tpu.memory_space<vmem>>, %arg9: memref<256x256xf32, #tpu.memory_space<vmem>>, %arg10: memref<1x256xf32, #tpu.memory_space<vmem>>, %arg11: memref<256x256xf32, #tpu.memory_space<vmem>>) attributes {dimension_semantics = [#tpu.dimension_semantics<arbitrary>], iteration_bounds = array<i64: 8>, scalar_prefetch = 0 : i64, scratch_operands = 0 : i64, tpu.core_type = #tpu.core_type<tc>, window_params = [{transform_indices = @transform_0, window_bounds = array<i64: 8192, 64>}, {transform_indices = @transform_1, window_bounds = array<i64: 8192, 16>}, {transform_indices = @transform_2, window_bounds = array<i64: 8192, 1>}, {pipeline_mode = #tpu.pipeline_mode<synchronous>, transform_indices = @transform_3, window_bounds = array<i64: 64, 128>}, {pipeline_mode = #tpu.pipeline_mode<synchronous>, transform_indices = @transform_4, window_bounds = array<i64: 16, 128>}, {pipeline_mode = #tpu.pipeline_mode<synchronous>, transform_indices = @transform_5, window_bounds = array<i64: 1, 128>}, {pipeline_mode = #tpu.pipeline_mode<synchronous>, transform_indices = @transform_6, window_bounds = array<i64: 128, 256>}, {pipeline_mode = #tpu.pipeline_mode<synchronous>, transform_indices = @transform_7, window_bounds = array<i64: 1, 256>}, {pipeline_mode = #tpu.pipeline_mode<synchronous>, transform_indices = @transform_8, window_bounds = array<i64: 256, 256>}, {pipeline_mode = #tpu.pipeline_mode<synchronous>, transform_indices = @transform_9, window_bounds = array<i64: 1, 256>}, {transform_indices = @transform_10, window_bounds = array<i64: 256, 256>}]} {
    %get3A = arith.constant 0 : index
    %get3A_0 = arith.constant 0 : index
    %get3A_1 = vector.load %arg1[%get3A, %get3A_0] : memref<8192x64xf32, #tpu.memory_space<vmem>>, vector<8192x64xf32>
    %get3A_2 = arith.constant 0 : index
    %get3A_3 = arith.constant 0 : index
    %get3A_4 = vector.load %arg4[%get3A_2, %get3A_3] : memref<64x128xf32, #tpu.memory_space<vmem>>, vector<64x128xf32>
    %dot_general3A = arith.constant dense<0.000000e+00> : vector<8192x128xf32>
    %dot_general3A_5 = tpu.matmul %get3A_1, %get3A_4, %dot_general3A {dimension_numbers = #tpu.dot_dimension_numbers<[1], [0], [0], [1], [0, 0, 1, 1], [], []>, transpose_lhs_hint = false} : vector<8192x64xf32>, vector<64x128xf32>, vector<8192x128xf32> -> vector<8192x128xf32>
    %get3A_6 = arith.constant 0 : index
    %get3A_7 = arith.constant 0 : index
    %get3A_8 = vector.load %arg2[%get3A_6, %get3A_7] : memref<8192x16xf32, #tpu.memory_space<vmem>>, vector<8192x16xf32>
    %get3A_9 = arith.constant 0 : index
    %get3A_10 = arith.constant 0 : index
    %get3A_11 = vector.load %arg5[%get3A_9, %get3A_10] : memref<16x128xf32, #tpu.memory_space<vmem>>, vector<16x128xf32>
    %dot_general3A_12 = arith.constant dense<0.000000e+00> : vector<8192x128xf32>
    %dot_general3A_13 = tpu.matmul %get3A_8, %get3A_11, %dot_general3A_12 {dimension_numbers = #tpu.dot_dimension_numbers<[1], [0], [0], [1], [0, 0, 1, 1], [], []>, transpose_lhs_hint = false} : vector<8192x16xf32>, vector<16x128xf32>, vector<8192x128xf32> -> vector<8192x128xf32>
    %add3A = arith.addf %dot_general3A_5, %dot_general3A_13 : vector<8192x128xf32>
    %get3A_14 = arith.constant 0 : index
    %get3A_15 = arith.constant 0 : index
    %get3A_16 = vector.load %arg6[%get3A_14, %get3A_15] : memref<1x128xf32, #tpu.memory_space<vmem>>, vector<1x128xf32>
    %get3A_17 = vector.shape_cast %get3A_16 : vector<1x128xf32> to vector<128xf32>
    %broadcast_in_dim3A = vector.shape_cast %get3A_17 : vector<128xf32> to vector<1x128xf32>
    %add3A_18 = vector.broadcast %broadcast_in_dim3A : vector<1x128xf32> to vector<8192x128xf32>
    %add3A_19 = arith.addf %add3A, %add3A_18 : vector<8192x128xf32>
    %max3A = arith.constant 0.000000e+00 : f32
    %max3A_20 = vector.broadcast %max3A : f32 to vector<8192x128xf32>
    %max3A_21 = arith.maximumf %add3A_19, %max3A_20 : vector<8192x128xf32>
    %get3A_22 = arith.constant 0 : index
    %get3A_23 = arith.constant 0 : index
    %get3A_24 = vector.load %arg7[%get3A_22, %get3A_23] : memref<128x256xf32, #tpu.memory_space<vmem>>, vector<128x256xf32>
    %dot_general3A_25 = arith.constant dense<0.000000e+00> : vector<8192x256xf32>
    %dot_general3A_26 = tpu.matmul %max3A_21, %get3A_24, %dot_general3A_25 {dimension_numbers = #tpu.dot_dimension_numbers<[1], [0], [0], [1], [0, 0, 1, 1], [], []>, transpose_lhs_hint = false} : vector<8192x128xf32>, vector<128x256xf32>, vector<8192x256xf32> -> vector<8192x256xf32>
    %get3A_27 = arith.constant 0 : index
    %get3A_28 = arith.constant 0 : index
    %get3A_29 = vector.load %arg8[%get3A_27, %get3A_28] : memref<1x256xf32, #tpu.memory_space<vmem>>, vector<1x256xf32>
    %get3A_30 = vector.shape_cast %get3A_29 : vector<1x256xf32> to vector<256xf32>
    %broadcast_in_dim3A_31 = vector.shape_cast %get3A_30 : vector<256xf32> to vector<1x256xf32>
    %add3A_32 = vector.broadcast %broadcast_in_dim3A_31 : vector<1x256xf32> to vector<8192x256xf32>
    %add3A_33 = arith.addf %dot_general3A_26, %add3A_32 : vector<8192x256xf32>
    %max3A_34 = arith.constant 0.000000e+00 : f32
    %max3A_35 = vector.broadcast %max3A_34 : f32 to vector<8192x256xf32>
    %max3A_36 = arith.maximumf %add3A_33, %max3A_35 : vector<8192x256xf32>
    %get3A_37 = arith.constant 0 : index
    %get3A_38 = arith.constant 0 : index
    %get3A_39 = vector.load %arg3[%get3A_37, %get3A_38] : memref<8192x1xf32, #tpu.memory_space<vmem>>, vector<8192x1xf32>
    %gt3A = arith.constant 0.000000e+00 : f32
    %gt3A_40 = vector.broadcast %gt3A : f32 to vector<8192x1xf32>
    %gt3A_41 = arith.cmpf ogt, %get3A_39, %gt3A_40 : vector<8192x1xf32>
    %jit3A = arith.constant -1.000000e+10 : f32
    %broadcast_in_dim3A_42 = vector.shape_cast %gt3A_41 : vector<8192x1xi1> to vector<8192x1xi1>
    %broadcast_in_dim3A_43 = vector.broadcast %broadcast_in_dim3A_42 : vector<8192x1xi1> to vector<8192x256xi1>
    %broadcast_in_dim3A_44 = vector.broadcast %jit3A : f32 to vector<8192x256xf32>
    %select_n3A = arith.select %broadcast_in_dim3A_43, %max3A_36, %broadcast_in_dim3A_44 : vector<8192x256xi1>, vector<8192x256xf32>
    %reshape3A = vector.shape_cast %select_n3A : vector<8192x256xf32> to vector<256x32x256xf32>
    %reduce_max3A = arith.constant dense<0xFF800000> : vector<256x256xf32>
    %reduce_max3A_45 = vector.multi_reduction <maximumf>, %reshape3A, %reduce_max3A [1] : vector<256x32x256xf32> to vector<256x256xf32>
    %get3A_46 = arith.constant 0 : index
    %get3A_47 = arith.constant 0 : index
    %get3A_48 = vector.load %arg9[%get3A_46, %get3A_47] : memref<256x256xf32, #tpu.memory_space<vmem>>, vector<256x256xf32>
    %dot_general3A_49 = arith.constant dense<0.000000e+00> : vector<256x256xf32>
    %dot_general3A_50 = tpu.matmul %reduce_max3A_45, %get3A_48, %dot_general3A_49 {dimension_numbers = #tpu.dot_dimension_numbers<[1], [0], [0], [1], [0, 0, 1, 1], [], []>, transpose_lhs_hint = false} : vector<256x256xf32>, vector<256x256xf32>, vector<256x256xf32> -> vector<256x256xf32>
    %get3A_51 = arith.constant 0 : index
    %get3A_52 = arith.constant 0 : index
    %get3A_53 = vector.load %arg10[%get3A_51, %get3A_52] : memref<1x256xf32, #tpu.memory_space<vmem>>, vector<1x256xf32>
    %get3A_54 = vector.shape_cast %get3A_53 : vector<1x256xf32> to vector<256xf32>
    %broadcast_in_dim3A_55 = vector.shape_cast %get3A_54 : vector<256xf32> to vector<1x256xf32>
    %add3A_56 = vector.broadcast %broadcast_in_dim3A_55 : vector<1x256xf32> to vector<256x256xf32>
    %add3A_57 = arith.addf %dot_general3A_50, %add3A_56 : vector<256x256xf32>
    %max3A_58 = arith.constant 0.000000e+00 : f32
    %max3A_59 = vector.broadcast %max3A_58 : f32 to vector<256x256xf32>
    %max3A_60 = arith.maximumf %add3A_57, %max3A_59 : vector<256x256xf32>
    %swap3A = arith.constant 0 : index
    %swap3A_61 = arith.constant 0 : index
    %swap3A_62 = vector.load %arg11[%swap3A, %swap3A_61] : memref<256x256xf32, #tpu.memory_space<vmem>>, vector<256x256xf32>
    tpu.vector_store %arg11[%swap3A, %swap3A_61], %max3A_60 {strides = array<i32>} : memref<256x256xf32, #tpu.memory_space<vmem>>, vector<256x256xf32>,
    return
  }
  func.func @transform_0(%arg0: i32) -> (i32, i32) {
    %c0_i32 = arith.constant 0 : i32
    %c0_i32_0 = arith.constant 0 : i32
    return %arg0, %c0_i32 : i32, i32
  }
  func.func @transform_1(%arg0: i32) -> (i32, i32) {
    %c0_i32 = arith.constant 0 : i32
    %c0_i32_0 = arith.constant 0 : i32
    return %arg0, %c0_i32 : i32, i32
  }
  func.func @transform_2(%arg0: i32) -> (i32, i32) {
    %c0_i32 = arith.constant 0 : i32
    %c0_i32_0 = arith.constant 0 : i32
    return %arg0, %c0_i32 : i32, i32
  }
  func.func @transform_3(%arg0: i32) -> (i32, i32) {
    %c0_i32 = arith.constant 0 : i32
    %c0_i32_0 = arith.constant 0 : i32
    %c0_i32_1 = arith.constant 0 : i32
    return %c0_i32, %c0_i32_0 : i32, i32
  }
  func.func @transform_4(%arg0: i32) -> (i32, i32) {
    %c0_i32 = arith.constant 0 : i32
    %c0_i32_0 = arith.constant 0 : i32
    %c0_i32_1 = arith.constant 0 : i32
    return %c0_i32, %c0_i32_0 : i32, i32
  }
  func.func @transform_5(%arg0: i32) -> (i32, i32) {
    %c0_i32 = arith.constant 0 : i32
    %c0_i32_0 = arith.constant 0 : i32
    %c0_i32_1 = arith.constant 0 : i32
    return %c0_i32, %c0_i32_0 : i32, i32
  }
  func.func @transform_6(%arg0: i32) -> (i32, i32) {
    %c0_i32 = arith.constant 0 : i32
    %c0_i32_0 = arith.constant 0 : i32
    %c0_i32_1 = arith.constant 0 : i32
    return %c0_i32, %c0_i32_0 : i32, i32
  }
  func.func @transform_7(%arg0: i32) -> (i32, i32) {
    %c0_i32 = arith.constant 0 : i32
    %c0_i32_0 = arith.constant 0 : i32
    %c0_i32_1 = arith.constant 0 : i32
    return %c0_i32, %c0_i32_0 : i32, i32
  }
  func.func @transform_8(%arg0: i32) -> (i32, i32) {
    %c0_i32 = arith.constant 0 : i32
    %c0_i32_0 = arith.constant 0 : i32
    %c0_i32_1 = arith.constant 0 : i32
    return %c0_i32, %c0_i32_0 : i32, i32
  }
  func.func @transform_9(%arg0: i32) -> (i32, i32) {
    %c0_i32 = arith.constant 0 : i32
    %c0_i32_0 = arith.constant 0 : i32
    %c0_i32_1 = arith.constant 0 : i32
    return %c0_i32, %c0_i32_0 : i32, i32
  }
  func.func @transform_10(%arg0: i32) -> (i32, i32) {
    %c0_i32 = arith.constant 0 : i32
    %c0_i32_0 = arith.constant 0 : i32
    return %arg0, %c0_i32 : i32, i32
  }
}

</mosaic_0001>

<sc_bundles>
// kernel: kernel.6.cloned.1.call-start
scs
__scs_entry_jumppad:
0x0: {  	(pc) =	sbr.rel $0x88, $3  }
0x1: {  	(tag) =	ssettag $0x0;
	lr =	simm.s32 $0x1  }
0x2: {  	[smem:$0x3F97] =	sst lr;
	_ =	strace $0xD0000000  }
0x3: {  	_ = 	snop  }
0x4: {  	_ = 	snop  }
0x5: {  	_ = 	snop  }
0x6: {  	_ = 	snop  }
0x7: {  	_ = 	snop  }
__scs_overlays_trampoline_lowered:
0x8: {  	[smem:$0x3FA6] =	sst s0  }
0x9: {  	[smem:$0x3FA7] =	sst s1  }
0xa: {  	[smem:$0x3FA8] =	sst s2  }
0xb: {  	[smem:$0x3FA9] =	sst s3  }
0xc: {  	[smem:$0x3FAA] =	sst s4  }
0xd: {  	[smem:$0x3FAB] =	sst s5  }
0xe: {  	[smem:$0x3FAC] =	sst s6  }
0xf: {  	[smem:$0x3FAD] =	sst s7  }
0x10: {  	[smem:$0x3FAE] =	sst s8  }
0x11: {  	[smem:$0x3FAF] =	sst s9;
	s0 =	simm.s32 @!p0 $0x0  }
0x12: {  	s1 =	sld [smem:$0x3F95];
	s0 =	simm.s32 @p0 $0x1  }
0x13: {  	[smem:$0x3FB0] =	sst s0;
	s0 =	simm.s32 @!p1 $0x0  }
0x14: {  	s2 =	sld [smem:$0x3F94];
	s0 =	simm.s32 @p1 $0x1  }
0x15: {  	[smem:$0x3FB1] =	sst s0;
	s0 =	simm.s32 @!p2 $0x0  }
0x16: {  	s3 =	sld [smem:$0x3FDB];
	s0 =	simm.s32 @p2 $0x1  }
0x17: {  	s4 =	simm.s32 $0x1BF5;
	[smem:$0x3FB3] =	sst s0  }
0x18: {  	s0 =	sld [smem:$0x3F96];
	_ =	swait.ge [sflag:s4], $0x0  }
0x19: {  	s7 =	sld [smem:$0x3F97]  }
0x1a: {  	s8 =	sadd.s32 $0xFFFFE003, lr  }
0x1b: {  	s9 =	sadd.s32 $0xFFFFFEF7, lr;
	s5 =	simm.s32 $0xFFFFFFFF;
	p2 =	slt.u32 s8, $0xFFFFF086  }
0x1c: {  	p1 =	slt.u32 s9, $0xF7A;
	s5 =	simm.s32 @!p2 $0x0  }
0x1d: {  	s5 =	simm.s32 @p1 $0x1;
	p0 =	seq.s32 s7, s2  }
0x1e: {  	s7 =	smul.u32 @!p0 $0xF7A, s2;
	p2 =	seq.s32 @!p0 s5, $0x0  }
0x1f: {  	s9 =	smul.u32 $0xF7A, s1;
	s8 =	simm.s32 @!p0 $0x1BF5;
	p2 =	por !p2, p0  }
0x20: {  	[sflag:s8] =	ssyncset.s32 @!p0 $0xFFFFF086;
	s6 =	sadd.s32 @!p0 s3, s7;
	s7 =	simm.s32 @!p0 $0x108  }
0x21: {  	s3 =	sadd.s32 s3, s9;
	s6 =	sadd.s32 @!p0 $0x88, s6;
	s7 =	simm.s32 @p2 $0x1082  }
0x22: {  	[simem:s7], [sflag:s8] =	dma.local @!p0 [hbm:s6], $0xF7A  }
0x23: {  	s9 =	sor.u32 $0xD0000000, s2;
	s6 =	simm.s32 $0x108;
	_ =	swait.ge @!p0 [sflag:s8], $0x0  }
0x24: {  	s3 =	sadd.s32 $0x88, s3;
	s6 =	simm.s32 @!p1 $0x1082;
	[sflag:s4] =	ssyncset.s32 $0xFFFFF086  }
0x25: {  	[simem:s6], [sflag:s4] =	dma.local [hbm:s3], $0xF7A  }
0x26: {  	[smem:$0x3F97] =	sst s1;
	(tag) =	ssettag s2;
	_ =	strace s9  }
0x27: {  	s1 =	sld [smem:$0x3FA7]  }
0x28: {  	s2 =	sld [smem:$0x3FA8]  }
0x29: {  	s4 =	sld [smem:$0x3FAA]  }
0x2a: {  	p0 =	seq.s32 s5, $0x0;
	s5 =	sld [smem:$0x3FAB]  }
0x2b: {  	s6 =	sld [smem:$0x3FAC]  }
0x2c: {  	s7 =	sld [smem:$0x3FAD]  }
0x2d: {  	s3 =	simm.s32 $0x108;
	s8 =	sld [smem:$0x3FAE]  }
0x2e: {  	s3 =	simm.s32 @!p0 $0x1082;
	s9 =	sld [smem:$0x3FAF]  }
0x2f: {  	lr =	sadd.s32 s0, s3;
	s0 =	sld [smem:$0x3FA6]  }
0x30: {  	s3 =	sld [smem:$0x3FA9]  }
0x31: {  	[smem:$0x3FB2] =	sst s10  }
0x32: {  	s10 =	sld [smem:$0x3FB0];
	_ =	sdelay $0x3  }
0x33: {  	p0 =	seq.s32 s10, $0x1;
	s10 =	sld [smem:$0x3FB2];
	_ =	sdelay $0x3  }
0x34: {  	[smem:$0x3FB2] =	sst s10  }
0x35: {  	s10 =	sld [smem:$0x3FB1];
	_ =	sdelay $0x3  }
0x36: {  	p1 =	seq.s32 s10, $0x1;
	s10 =	sld [smem:$0x3FB2];
	_ =	sdelay $0x3  }
0x37: {  	[smem:$0x3FB2] =	sst s10  }
0x38: {  	s10 =	sld [smem:$0x3FB3]  }
0x39: {  	_ = 	snop;
	(pc) =	sbr.ind lr, $3  }
0x3a: {  	_ = 	snop  }
0x3b: {  	_ = 	snop  }
0x3c: {  	p2 =	seq.s32 s10, $0x1;
	s10 =	sld [smem:$0x3FB2]  }
0x3d: {  	_ =	shalt  }
0x3e: {  	_ =	shalt  }
0x3f: {  	_ =	shalt  }
0x40: {  	_ =	shalt  }
0x41: {  	_ =	shalt  }
0x42: {  	_ =	shalt  }
0x43: {  	_ =	shalt  }
0x44: {  	_ =	shalt  }
0x45: {  	_ =	shalt  }
0x46: {  	_ =	shalt  }
0x47: {  	_ =	shalt  }
0x48: {  	_ =	shalt  }
0x49: {  	_ =	shalt  }
0x4a: {  	_ =	shalt  }
0x4b: {  	_ =	shalt  }
0x4c: {  	_ =	shalt  }
0x4d: {  	_ =	shalt  }
0x4e: {  	_ =	shalt  }
0x4f: {  	_ =	shalt  }
0x50: {  	_ =	shalt  }
0x51: {  	_ =	shalt  }
0x52: {  	_ =	shalt  }
0x53: {  	_ =	shalt  }
0x54: {  	_ =	shalt  }
0x55: {  	_ =	shalt  }
0x56: {  	_ =	shalt  }
0x57: {  	_ =	shalt  }
0x58: {  	_ =	shalt  }
0x59: {  	_ =	shalt  }
0x5a: {  	_ =	shalt  }
0x5b: {  	_ =	shalt  }
0x5c: {  	_ =	shalt  }
0x5d: {  	_ =	shalt  }
0x5e: {  	_ =	shalt  }
0x5f: {  	_ =	shalt  }
0x60: {  	_ =	shalt  }
0x61: {  	_ =	shalt  }
0x62: {  	_ =	shalt  }
0x63: {  	_ =	shalt  }
0x64: {  	_ =	shalt  }
0x65: {  	_ =	shalt  }
0x66: {  	_ =	shalt  }
0x67: {  	_ =	shalt  }
0x68: {  	_ =	shalt  }
0x69: {  	_ =	shalt  }
0x6a: {  	_ =	shalt  }
0x6b: {  	_ =	shalt  }
0x6c: {  	_ =	shalt  }
0x6d: {  	_ =	shalt  }
0x6e: {  	_ =	shalt  }
0x6f: {  	_ =	shalt  }
0x70: {  	_ =	shalt  }
0x71: {  	_ =	shalt  }
0x72: {  	_ =	shalt  }
0x73: {  	_ =	shalt  }
0x74: {  	_ =	shalt  }
0x75: {  	_ =	shalt  }
0x76: {  	_ =	shalt  }
0x77: {  	_ =	shalt  }
0x78: {  	_ =	shalt  }
0x79: {  	_ =	shalt  }
0x7a: {  	_ =	shalt  }
0x7b: {  	_ =	shalt  }
0x7c: {  	_ =	shalt  }
0x7d: {  	_ =	shalt  }
0x7e: {  	_ =	shalt  }
0x7f: {  	_ =	shalt  }
0x80: {  	_ =	shalt  }
0x81: {  	_ =	shalt  }
0x82: {  	_ =	shalt  }
0x83: {  	_ =	shalt  }
0x84: {  	_ =	shalt  }
0x85: {  	_ =	shalt  }
0x86: {  	_ =	shalt  }
0x87: {  	_ =	shalt  }
.Lfunc_end0:
.L_simem_size_0:
called_computation_lowered:
.L_overlay_start_0:
0x88: {  	s2 =	sld [smem:$0x3FD9]  }
0x89: {  	s3 =	sld [smem:$0x3FFE];
	_ =	sdelay $0x1  }
0x8a: {  	s1 =	srdreg.scid  }
0x8b: {  	s0 =	sand.u32 $0x1, s1  }
0x8c: {  	s14 =	sshll.u32 s0, $0xA;
	s2 =	sadd.s32 s3, s2  }
0x8d: {  	s2 =	sadd.s32 s2, s14  }
0x8e: {  	[smem:$0x3FBE] =	sst s2  }
0x8f: {  	_ = 	snop  }
0x90: {  	s2 =	sld [smem:$0x3FD0];
	_ =	sdelay $0x2  }
0x91: {  	s15 =	simm.s32 $0xA;
	s4 =	simm.s32 $0x10  }
0x92: {  	[smem:s4], [sflag:s15] =	dma.local [hbm:s2], $0x1  }
0x93: {  	_ =	swait.eq [sflag:s15], $0x1  }
0x94: {  	[sflag:s15] =	ssyncset.done $0x0  }
0x95: {  	s16 =	sld [smem:$0x10];
	[sflag:s15] =	ssyncadd.s32 $0xFFFFFFFF  }
0x96: {  	s17 =	sld [smem:$0x14];
	(tm) =	ssettm $0x1  }
0x97: {  	s18 =	sld [smem:$0x3FFB];
	_ =	sdelay $0x3  }
0x98: {  	_ =	strace s18  }
0x99: {  	s4 =	sld [smem:$0x3FFC];
	_ =	sdelay $0x3  }
0x9a: {  	_ =	strace s4  }
0x9b: {  	s4 =	sld [smem:$0x3FFD];
	_ =	sdelay $0x3  }
0x9c: {  	_ =	strace s4  }
0x9d: {  	_ =	strace $0x8FFFFFFF  }
0x9e: {  	s19 =	sld [smem:$0x3FDB];
	_ =	sdelay $0x1  }
0x9f: {  	s5 =	simm.s32 $_scs_section_size  }
0xa0: {  	s6 =	simm.s32 $_size__tile_overlayer_lowered;
	s7 =	simm.s32 $_tile_overlayer_lowered  }
0xa1: {  	s22 =	simm.s32 $0x1BFF;
	s21 =	sshll.u32 s7, $0x1;
	s4 =	sadd.s32 s5, s19  }
0xa2: {  	s8 =	simm.s32 $0x0;
	s20 =	sshll.u32 s6, $0x1;
	s6 =	sadd.s32 s21, s4  }
0xa3: {  	[timem:s8], [sflag:s22] =	dma.local [hbm:s6], s20  }
0xa4: {  	_ =	swait.ge [sflag:s22], s20  }
0xa5: {  	s5 =	ssub.s32 $0x0, s20;
	[sflag:s22] =	ssyncset.done $0x0  }
0xa6: {  	[sflag:s22] =	ssyncadd.s32 s5;
	_ =	sdelay $0x1  }
0xa7: {  	s23 =	simm.s32 $0x1B8B  }
0xa8: {  	_ =	swait.ge [sflag:s23], $0x1  }
0xa9: {  	[sflag:s23] =	ssyncset.done $0x0  }
0xaa: {  	s25 =	simm.s32 $0x1B8E;
	s24 =	sld [smem:$0x3FFE];
	[sflag:s23] =	ssyncadd.s32 $0xFFFFFFFF  }
0xab: {  	s26 =	simm.s32 $execute0_lowered;
	[smem:$0x3FD2] =	sst s25  }
0xac: {  	s6 =	sshll.u32 s26, $0x1;
	_ =	strace $0x80000046;
	[dreg:$0x1] =	wrdreg $0xFFFFFFFF  }
0xad: {  	s28 =	simm.s32 $_size_execute0_lowered;
	s4 =	sadd.s32 s4, s6;
	[dreg:$0x0] =	wrdreg $0x0  }
0xae: {  	s6 =	sshll.u32 s28, $0x1;
	[dreg:$0x2] =	wrdreg s4  }
0xaf: {  	[dreg:$0x3] =	wrdreg s6  }
0xb0: {  	[dreg:$0x4] =	wrdreg $0xC0  }
0xb1: {  	_ =	task [dreg:s8], $0x5FFFF  }
0xb2: {  	[dreg:$0x1] =	wrdreg $0xFFFFFFFF  }
0xb3: {  	[dreg:$0x0] =	wrdreg $0x60  }
0xb4: {  	[dreg:$0x2] =	wrdreg s16  }
0xb5: {  	[dreg:$0x3] =	wrdreg s24  }
0xb6: {  	[dreg:$0x4] =	wrdreg s17  }
0xb7: {  	[dreg:$0x5] =	wrdreg $0x9  }
0xb8: {  	_ =	task.clear_ibuf [dreg:s8], $0x6FFFF;
	_ =	strace $0x90000046  }
0xb9: {  	s29 =	simm.s32 $0x9;
	_ =	strace $0x80000048  }
0xba: {  	_ =	swait.ge [sflag:s29], $0x1  }
0xbb: {  	[sflag:s29] =	ssyncadd.s32 $0xFFFFFFFF  }
0xbc: {  	_ =	strace $0x90000048  }
0xbd: {  	_ =	sfence  }
0xbe: {  	s30 =	sld [smem:$0x0];
	_ =	sdelay $0x2  }
0xbf: {  	s31 =	sshll.u32 s1, $0xD;
	s1 =	sshrl.u32 s1, $0x2  }
0xc0: {  	s3 =	sand.u32 $0x4000, s31;
	s1 =	sadd.s32 s1, s30  }
0xc1: {  	s0 =	sor.u32 s3, s0;
	s1 =	sshll.u32 s1, $0x11  }
0xc2: {  	s0 =	sor.u32 s1, s0  }
0xc3: {  	s0 =	sadd.s32 $0x8F2B, s0  }
0xc4: {  	[sflag:s0] =	ssyncadd.remote.s32 $0x1  }
0xc5: {  	_ =	sfence.sel $0xFFFF  }
0xc6: {  	[dreg:$0x0] =	wrdreg $0xFFFFFFFF;
	(pc) =	sbr.abs _section_cstart, $3  }
0xc7: {  	[dreg:$0x1] =	wrdreg $0xFFFFFFFF  }
0xc8: {  	_ =	task.clear_ibuf [dreg:s8], $0x2FFFF;
	_ =	strace $0x9FFFFFFF  }
0xc9: {  	(tm) =	ssettm $0x7FFFFFFF  }
tec
execute0_lowered:
.L_overlay_start_1:
0x0: {  	(tag) =	ssettag $0x1  }
0x1: {  	s1 =	rddreg [dreg:$0x0]  }
0x2: {  	s0 =	rddreg [dreg:$0x1]  }
0x3: {  	s2 =	rddreg [dreg:$0x2]  }
0x4: {  	s4 =	srdreg.scid;
	s5 =	stileid.u32  }
0x5: {  	s3 =	simm.s32 $0x0;
	s28 =	simm.s32 $0x11000;
	s29 =	simm.s32 $0x13000  }
0x6: {  	s30 =	simm.s32 $0x3;
	s31 =	simm.s32 $0x15000;
	s6 =	sand.u32 $0x1, s4  }
0x7: {  	s12 =	sshll.u32 s5, $0x1;
	[smem:$0x7FF] =	sst s3;
	s4 =	sadd.s32 $0x6E00, s0  }
0x8: {  	s5 =	sadd.s32 $0x1E00, s0;
	s9 =	sadd.s32 $0xBE00, s0;
	s15 =	sadd.s32 $0x8BE00, s0  }
0x9: {  	s7 =	sor.u32 s6, s12;
	_ =	strace $0x80000047;
	s6 =	ssub.s32 $0x2, s6  }
0xa: {  	s8 =	sshll.u32 s7, $0x8;
	s10 =	sshll.u32 s7, $0x7;
	s13 =	sshrl.u32 s6, $0x1  }
0xb: {  	s14 =	sshll.u32 s7, $0xB;
	s11 =	sshll.u32 s7, $0x3;
	s16 =	sshll.u32 s7, $0xC  }
0xc: {  	s7 =	sshll.u32 s7, $0xE;
	s8 =	sadd.s32 s8, s0;
	s0 =	sadd.s32 s10, s0  }
0xd: {  	s6 =	ssub.s32 s6, s13;
	s2 =	sadd.s32 s2, s11;
	s17 =	sor.u32 $0x200, s14  }
0xe: {  	s18 =	sadd.s32 s9, s7;
	s21 =	sor.u32 $0x400, s14;
	s23 =	sor.u32 $0x600, s14  }
0xf: {  	s7 =	simm.s32 $0x4;
	s12 =	sadd.s32 $0x2E00, s8;
	[dreg:$0x6] =	wrdreg s2  }
0x10: {  	s8 =	sadd.s32 $0x4E00, s8;
	s2 =	sadd.s32 s15, s16;
	[dreg:$0x8] =	wrdreg s18  }
0x11: {  	s19 =	sshll.u32 s17, $0x1;
	s20 =	sshll.u32 s17, $0x3;
	s22 =	sshll.u32 s21, $0x1  }
0x12: {  	s24 =	sshll.u32 s21, $0x3;
	s25 =	sshll.u32 s23, $0x1;
	s26 =	sshll.u32 s23, $0x3  }
0x13: {  	s17 =	sadd.s32 $0xAE00, s0;
	s18 =	smax.u32 s6, $0x1;
	[dreg:$0x4] =	wrdreg s12  }
0x14: {  	s21 =	simm.s32 $0x17000;
	s23 =	simm.s32 $0x17040;
	[dreg:$0x5] =	wrdreg s8  }
0x15: {  	s0 =	simm.s32 $0x1;
	s6 =	simm.s32 $0x600;
	[dreg:$0x7] =	wrdreg s2  }
0x16: {  	s2 =	sadd.s32 s15, s19;
	s12 =	sadd.s32 s9, s20;
	s13 =	sadd.s32 s15, s22  }
0x17: {  	s14 =	sadd.s32 s9, s24;
	s15 =	sadd.s32 s15, s25;
	s16 =	sadd.s32 s9, s26  }
0x18: {  	s19 =	simm.s32 $0x5;
	s20 =	simm.s32 $0x800;
	s24 =	simm.s32 $0x200  }
0x19: {  	s25 =	simm.s32 $0x1000;
	s26 =	simm.s32 $0x9000;
	s22 =	simm.s32 $0x2  }
0x1a: {  	s8 =	simm.s32 $0x0;
	[dreg:$0x9] =	wrdreg s2;
	s2 =	simm.s32 $0x400  }
.LBB2_1:
0x1b: {  	s9 =	rddreg [dreg:$0x4]  }
0x1c: {  	[tilespmem:s3], [sflag:$0x5] =	stream.linear.gather [hbm4b:s9+s3], $0x800, $0x38;
	[tilespmem:$0x17440] =	vst v63  }
0x1d: {  	_ =	swait.ge [sflag:s19], $0x800  }
0x1e: {  	[sflag:s19] =	ssyncset.done $0x0  }
0x1f: {  	s11 =	rddreg [dreg:$0x5];
	[sflag:s19] =	ssyncadd.s32 $0xFFFFF800  }
0x20: {  	[tilespmem:s20], [sflag:$0x5] =	stream.linear.gather [hbm4b:s11+s3], $0x800, $0x38;
	[tilespmem:$0x17440] =	vst v63  }
0x21: {  	_ =	swait.ge [sflag:s19], $0x800  }
0x22: {  	[sflag:s19] =	ssyncset.done $0x0  }
0x23: {  	s10 =	rddreg [dreg:$0x6];
	[sflag:s19] =	ssyncadd.s32 $0xFFFFF800  }
0x24: {  	[tilespmem:s21], [sflag:$0x5] =	stream.linear.gather [hbm4b:s10+s3], $0x40, $0x38;
	[tilespmem:$0x17440] =	vst v63  }
0x25: {  	_ =	swait.ge [sflag:s19], $0x40  }
0x26: {  	[sflag:s19] =	ssyncset.done $0x0  }
0x27: {  	s11 =	simm.s32 $0x40;
	[sflag:s19] =	ssyncadd.s32 $0xFFFFFFC0  }
0x28: {  	[tilespmem:s23], [sflag:$0x4] =	stream.indirect.gather [hbm4b:s4+s11], $0x10, s21, s11, $0xb8;
	[tilespmem:$0x17440] =	vst v63  }
0x29: {  	_ = 	snop  }
0x2a: {  	[tilespmem:s25], [sflag:$0x1] =	stream.indirect.gather [hbm4b:s1+s24], $0x40, s3, s24, $0xb8;
	[tilespmem:$0x17440] =	vst v63  }
0x2b: {  	_ = 	snop  }
0x2c: {  	[tilespmem:s26], [sflag:$0x2] =	stream.indirect.gather [hbm4b:s1+s24], $0x40, s24, s24, $0xb8;
	[tilespmem:$0x17440] =	vst v63  }
0x2d: {  	_ = 	snop  }
0x2e: {  	[tilespmem:s28], [sflag:$0x3] =	stream.indirect.gather [hbm4b:s4+s24], $0x10, s3, s24, $0xb8;
	[tilespmem:$0x17440] =	vst v63  }
0x2f: {  	_ = 	snop  }
0x30: {  	[tilespmem:s29], [sflag:$0x3] =	stream.indirect.gather [hbm4b:s5+s24], $0x10, s20, s24, $0xb8;
	[tilespmem:$0x17440] =	vst v63  }
0x31: {  	_ =	swait.ge [sflag:s30], $0x2000  }
0x32: {  	[sflag:s30] =	ssyncset.done $0x0  }
0x33: {  	[sflag:s30] =	ssyncadd.s32 $0xFFFFE000  }
0x34: {  	_ =	swait.ge [sflag:s30], $0x2000  }
0x35: {  	[sflag:s30] =	ssyncset.done $0x0  }
0x36: {  	s9 =	simm.s32 $0x0;
	[sflag:s30] =	ssyncadd.s32 $0xFFFFE000  }
0x37: {  	v0 =	vld [tilespmem:s9+$0x11000]  }
0x38: {  	s10 =	simm.s32 $0x40;
	v1 =	vld [tilespmem:s9+$0x13000]  }
.LBB2_2:
0x39: {  	_ = 	snop  }
0x3a: {  	p0 =	sne.s32 s10, $0x7FC0  }
.Ltmp0:
0x3b: {  	_ = 	snop;
	(pc) =	sbr.rel @p0 .LBB2_2-.Ltmp0, $4  }
0x3c: {  	_ = 	snop  }
0x3d: {  	s11 =	sshra.s32 s10, $0x2;
	v2 =	vsub.f32 v0, v1  }
0x3e: {  	v0 =	vld [tilespmem:s11+$0x11000]  }
0x3f: {  	s10 =	sadd.s32 $0x40, s10;
	v1 =	vld [tilespmem:s11+$0x13000];
	[tilespmem:s9+$0x15000] =	vst v2;
	s9 =	smov.u32 s11  }
0x40: {  	_ =	sdelay $0x3  }
0x41: {  	v0 =	vsub.f32 v0, v1;
	_ =	sdelay $0x1  }
0x42: {  	s10 =	rddreg [dreg:$0x7];
	[tilespmem:s9+$0x15000] =	vst v0;
	s9 =	simm.s32 $0x0  }
0x43: {  	[hbm4b:s10+s9] =	stream.linear.scatter [tilespmem:s31], [sflag:$0x5], $0x2000, $0x38;
	[tilespmem:$0x17440] =	vst v63  }
0x44: {  	_ =	swait.ge [sflag:s19], $0x2000  }
0x45: {  	[sflag:s19] =	ssyncset.done $0x0  }
0x46: {  	[sflag:s19] =	ssyncadd.s32 $0xFFFFE000  }
0x47: {  	_ =	swait.ge [sflag:s0], $0x8000  }
0x48: {  	[sflag:s0] =	ssyncset.done $0x0  }
0x49: {  	s11 =	rddreg [dreg:$0x8];
	[sflag:s0] =	ssyncadd.s32 $0xFFFF8000  }
0x4a: {  	[hbm4b:s11+s9] =	stream.linear.scatter [tilespmem:s25], [sflag:$0x5], $0x8000, $0x38;
	[tilespmem:$0x17440] =	vst v63  }
0x4b: {  	_ =	swait.ge [sflag:s19], $0x8000  }
0x4c: {  	[sflag:s19] =	ssyncset.done $0x0  }
0x4d: {  	[sflag:s19] =	ssyncadd.s32 $0xFFFF8000  }
0x4e: {  	[tilespmem:s25], [sflag:$0x1] =	stream.indirect.gather [hbm4b:s1+s24], $0x40, s2, s24, $0xb8;
	[tilespmem:$0x17440] =	vst v63  }
0x4f: {  	_ = 	snop  }
0x50: {  	[tilespmem:s28], [sflag:$0x3] =	stream.indirect.gather [hbm4b:s4+s24], $0x10, s24, s24, $0xb8;
	[tilespmem:$0x17440] =	vst v63  }
0x51: {  	s11 =	simm.s32 $0xA00  }
0x52: {  	[tilespmem:s29], [sflag:$0x3] =	stream.indirect.gather [hbm4b:s5+s24], $0x10, s11, s24, $0xb8;
	[tilespmem:$0x17440] =	vst v63  }
0x53: {  	_ =	swait.ge [sflag:s30], $0x2000  }
0x54: {  	[sflag:s30] =	ssyncset.done $0x0  }
0x55: {  	[sflag:s30] =	ssyncadd.s32 $0xFFFFE000  }
0x56: {  	_ =	swait.ge [sflag:s30], $0x2000  }
0x57: {  	[sflag:s30] =	ssyncset.done $0x0  }
0x58: {  	s9 =	simm.s32 $0x0;
	[sflag:s30] =	ssyncadd.s32 $0xFFFFE000  }
0x59: {  	v0 =	vld [tilespmem:s9+$0x11000]  }
0x5a: {  	s10 =	simm.s32 $0x40;
	v1 =	vld [tilespmem:s9+$0x13000]  }
.LBB2_4:
0x5b: {  	_ = 	snop  }
0x5c: {  	p0 =	sne.s32 s10, $0x7FC0  }
.Ltmp1:
0x5d: {  	_ = 	snop;
	(pc) =	sbr.rel @p0 .LBB2_4-.Ltmp1, $4  }
0x5e: {  	_ = 	snop  }
0x5f: {  	s11 =	sshra.s32 s10, $0x2;
	v2 =	vsub.f32 v0, v1  }
0x60: {  	v0 =	vld [tilespmem:s11+$0x11000]  }
0x61: {  	s10 =	sadd.s32 $0x40, s10;
	v1 =	vld [tilespmem:s11+$0x13000];
	[tilespmem:s9+$0x15000] =	vst v2;
	s9 =	smov.u32 s11  }
0x62: {  	_ =	sdelay $0x3  }
0x63: {  	v0 =	vsub.f32 v0, v1;
	_ =	sdelay $0x1  }
0x64: {  	s11 =	simm.s32 $0x0;
	s10 =	rddreg [dreg:$0x9];
	[tilespmem:s9+$0x15000] =	vst v0  }
0x65: {  	[hbm4b:s10+s11] =	stream.linear.scatter [tilespmem:s31], [sflag:$0x5], $0x2000, $0x38;
	[tilespmem:$0x17440] =	vst v63  }
0x66: {  	_ =	swait.ge [sflag:s19], $0x2000  }
0x67: {  	[sflag:s19] =	ssyncset.done $0x0  }
0x68: {  	[sflag:s19] =	ssyncadd.s32 $0xFFFFE000  }
0x69: {  	_ =	swait.ge [sflag:s22], $0x8000  }
0x6a: {  	[sflag:s22] =	ssyncset.done $0x0  }
0x6b: {  	[sflag:s22] =	ssyncadd.s32 $0xFFFF8000  }
0x6c: {  	[hbm4b:s12+s11] =	stream.linear.scatter [tilespmem:s26], [sflag:$0x5], $0x8000, $0x38;
	[tilespmem:$0x17440] =	vst v63  }
0x6d: {  	_ =	swait.ge [sflag:s19], $0x8000  }
0x6e: {  	[sflag:s19] =	ssyncset.done $0x0  }
0x6f: {  	[sflag:s19] =	ssyncadd.s32 $0xFFFF8000  }
0x70: {  	[tilespmem:s26], [sflag:$0x2] =	stream.indirect.gather [hbm4b:s1+s24], $0x40, s6, s24, $0xb8;
	[tilespmem:$0x17440] =	vst v63  }
0x71: {  	_ = 	snop  }
0x72: {  	[tilespmem:s28], [sflag:$0x3] =	stream.indirect.gather [hbm4b:s4+s24], $0x10, s2, s24, $0xb8;
	[tilespmem:$0x17440] =	vst v63  }
0x73: {  	s11 =	simm.s32 $0xC00  }
0x74: {  	[tilespmem:s29], [sflag:$0x3] =	stream.indirect.gather [hbm4b:s5+s24], $0x10, s11, s24, $0xb8;
	[tilespmem:$0x17440] =	vst v63  }
0x75: {  	_ =	swait.ge [sflag:s30], $0x2000  }
0x76: {  	[sflag:s30] =	ssyncset.done $0x0  }
0x77: {  	[sflag:s30] =	ssyncadd.s32 $0xFFFFE000  }
0x78: {  	_ =	swait.ge [sflag:s30], $0x2000  }
0x79: {  	[sflag:s30] =	ssyncset.done $0x0  }
0x7a: {  	s9 =	simm.s32 $0x0;
	[sflag:s30] =	ssyncadd.s32 $0xFFFFE000  }
0x7b: {  	v0 =	vld [tilespmem:s9+$0x11000]  }
0x7c: {  	s10 =	simm.s32 $0x40;
	v1 =	vld [tilespmem:s9+$0x13000]  }
.LBB2_6:
0x7d: {  	_ = 	snop  }
0x7e: {  	p0 =	sne.s32 s10, $0x7FC0  }
.Ltmp2:
0x7f: {  	_ = 	snop;
	(pc) =	sbr.rel @p0 .LBB2_6-.Ltmp2, $4  }
0x80: {  	_ = 	snop  }
0x81: {  	s11 =	sshra.s32 s10, $0x2;
	v2 =	vsub.f32 v0, v1  }
0x82: {  	v0 =	vld [tilespmem:s11+$0x11000]  }
0x83: {  	s10 =	sadd.s32 $0x40, s10;
	v1 =	vld [tilespmem:s11+$0x13000];
	[tilespmem:s9+$0x15000] =	vst v2;
	s9 =	smov.u32 s11  }
0x84: {  	_ =	sdelay $0x3  }
0x85: {  	v0 =	vsub.f32 v0, v1;
	_ =	sdelay $0x1  }
0x86: {  	s10 =	simm.s32 $0x0;
	[tilespmem:s9+$0x15000] =	vst v0  }
0x87: {  	[hbm4b:s13+s10] =	stream.linear.scatter [tilespmem:s31], [sflag:$0x5], $0x2000, $0x38;
	[tilespmem:$0x17440] =	vst v63  }
0x88: {  	_ =	swait.ge [sflag:s19], $0x2000  }
0x89: {  	[sflag:s19] =	ssyncset.done $0x0  }
0x8a: {  	[sflag:s19] =	ssyncadd.s32 $0xFFFFE000  }
0x8b: {  	_ =	swait.ge [sflag:s0], $0x8000  }
0x8c: {  	[sflag:s0] =	ssyncset.done $0x0  }
0x8d: {  	[sflag:s0] =	ssyncadd.s32 $0xFFFF8000  }
0x8e: {  	[hbm4b:s14+s10] =	stream.linear.scatter [tilespmem:s25], [sflag:$0x5], $0x8000, $0x38;
	[tilespmem:$0x17440] =	vst v63  }
0x8f: {  	_ =	swait.ge [sflag:s19], $0x8000  }
0x90: {  	[sflag:s19] =	ssyncset.done $0x0  }
0x91: {  	[sflag:s19] =	ssyncadd.s32 $0xFFFF8000  }
0x92: {  	[tilespmem:s28], [sflag:$0x3] =	stream.indirect.gather [hbm4b:s4+s24], $0x10, s6, s24, $0xb8;
	[tilespmem:$0x17440] =	vst v63  }
0x93: {  	s11 =	simm.s32 $0xE00  }
0x94: {  	[tilespmem:s29], [sflag:$0x3] =	stream.indirect.gather [hbm4b:s5+s24], $0x10, s11, s24, $0xb8;
	[tilespmem:$0x17440] =	vst v63  }
0x95: {  	_ =	swait.ge [sflag:s30], $0x2000  }
0x96: {  	[sflag:s30] =	ssyncset.done $0x0  }
0x97: {  	[sflag:s30] =	ssyncadd.s32 $0xFFFFE000  }
0x98: {  	_ =	swait.ge [sflag:s30], $0x2000  }
0x99: {  	[sflag:s30] =	ssyncset.done $0x0  }
0x9a: {  	s9 =	simm.s32 $0x0;
	[sflag:s30] =	ssyncadd.s32 $0xFFFFE000  }
0x9b: {  	v0 =	vld [tilespmem:s9+$0x11000]  }
0x9c: {  	s10 =	simm.s32 $0x40;
	v1 =	vld [tilespmem:s9+$0x13000]  }
.LBB2_8:
0x9d: {  	_ = 	snop  }
0x9e: {  	p0 =	sne.s32 s10, $0x7FC0  }
.Ltmp3:
0x9f: {  	_ = 	snop;
	(pc) =	sbr.rel @p0 .LBB2_8-.Ltmp3, $4  }
0xa0: {  	_ = 	snop  }
0xa1: {  	s11 =	sshra.s32 s10, $0x2;
	v2 =	vsub.f32 v0, v1  }
0xa2: {  	v0 =	vld [tilespmem:s11+$0x11000]  }
0xa3: {  	s10 =	sadd.s32 $0x40, s10;
	v1 =	vld [tilespmem:s11+$0x13000];
	[tilespmem:s9+$0x15000] =	vst v2;
	s9 =	smov.u32 s11  }
0xa4: {  	_ =	sdelay $0x3  }
0xa5: {  	v0 =	vsub.f32 v0, v1;
	_ =	sdelay $0x1  }
0xa6: {  	[tilespmem:s9+$0x15000] =	vst v0  }
0xa7: {  	[hbm4b:s15+s3] =	stream.linear.scatter [tilespmem:s31], [sflag:$0x5], $0x2000, $0x38;
	[tilespmem:$0x17440] =	vst v63  }
0xa8: {  	_ =	swait.ge [sflag:s19], $0x2000  }
0xa9: {  	[sflag:s19] =	ssyncset.done $0x0  }
0xaa: {  	[sflag:s19] =	ssyncadd.s32 $0xFFFFE000  }
0xab: {  	_ =	swait.ge [sflag:s22], $0x8000  }
0xac: {  	[sflag:s22] =	ssyncset.done $0x0  }
0xad: {  	[sflag:s22] =	ssyncadd.s32 $0xFFFF8000  }
0xae: {  	[hbm4b:s16+s3] =	stream.linear.scatter [tilespmem:s26], [sflag:$0x5], $0x8000, $0x38;
	[tilespmem:$0x17440] =	vst v63  }
0xaf: {  	_ =	swait.ge [sflag:s19], $0x8000  }
0xb0: {  	[sflag:s19] =	ssyncset.done $0x0  }
0xb1: {  	[sflag:s19] =	ssyncadd.s32 $0xFFFF8000  }
0xb2: {  	s8 =	sadd.s32 $0x1, s8;
	_ =	swait.ge [sflag:s7], $0x400  }
0xb3: {  	p0 =	sne.s32 s8, s18;
	[sflag:s7] =	ssyncset.done $0x0  }
.Ltmp4:
0xb4: {  	[sflag:s7] =	ssyncadd.s32 $0xFFFFFC00;
	(pc) =	sbr.rel @p0 .LBB2_1-.Ltmp4, $4  }
0xb5: {  	[hbm4b:s17+s3] =	stream.linear.scatter [tilespmem:s23], [sflag:$0x5], $0x400, $0x38;
	[tilespmem:$0x17440] =	vst v63  }
0xb6: {  	_ =	swait.ge [sflag:s19], $0x400  }
0xb7: {  	[sflag:s19] =	ssyncset.done $0x0  }
0xb8: {  	[sflag:s19] =	ssyncadd.s32 $0xFFFFFC00  }
0xb9: {  	_ =	sfence.sel $0x180000  }
0xba: {  	[bflag:$0x0] =	sbarrier.arrive $0xFFFF  }
0xbb: {  	_ =	strace $0x90000047  }
0xbc: {  	s0 =	stileid.u32;
	[bflag:$0x2] =	sbarrier.arrive $0xFFFF  }
0xbd: {  	p0 =	sne.s32 s0, $0x0;
	s0 =	rddreg [dreg:$0x3]  }
0xbe: {  	s0 =	sadd.s32 @!p0 $0x100000, s0  }
0xbf: {  	[sflag:s0] =	ssyncadd.tile.s32 @!p0 $0x1;
	_ =	shalt  }
.Lfunc_end2:
_tile_overlayer_lowered:
.L_overlay_start_2:
0xc0: {  	(tag) =	ssettag $0x2  }
0xc1: {  	s0 =	rddreg [dreg:$0x0];
	s2 =	stileid.u32  }
0xc2: {  	s1 =	rddreg [dreg:$0x1];
	p0 =	sne.s32 s2, $0x0  }
0xc3: {  	s3 =	rddreg [dreg:$0x2];
	[bflag:$0x3] =	sbarrier.arrive $0xFFFF;
	s2 =	simm.s32 @!p0 $0x1C05  }
0xc4: {  	[timem:s3], [sflag:s2] =	dma.local @!p0 [hbm:s0], s1  }
0xc5: {  	s0 =	simm.s32 @!p0 $0x5  }
0xc6: {  	_ =	swait.ge @!p0 [sflag:s0], s1  }
0xc7: {  	s1 =	ssub.s32 @!p0 $0x0, s1;
	[sflag:s0] =	ssyncset.done @!p0 $0x0  }
0xc8: {  	[sflag:s0] =	ssyncadd.s32 @!p0 s1  }
0xc9: {  	[bflag:$0x3] =	sbarrier.arrive $0xFFFF  }
0xca: {  	_ =	shalt  }

</sc_bundles>
